<compile_context>
chip_gen: v7x
topology: tpu7x:2x2x1
jax: 0.10.2.dev20260603
libtpu: 0.0.44.dev20260713+nightly
codegen_flags: <defaults>
</compile_context>

<pallas_src>
import functools

import jax
import jax.numpy as jnp
from jax import lax
from jax.experimental import pallas as pl
from jax.experimental.pallas import tpu as pltpu
from jax.experimental.pallas import tpu_sc as plsc

_NUM_CORES = 2
_NUM_SUBCORES = 16
_NUM_WORKERS = _NUM_CORES * _NUM_SUBCORES

_NSLOT = 5
_LEAD = 3


def _gather_kernel(idx_hbm, table_hbm, out_hbm, idx_v, bufs, gsems, ssems, *,
                   seq, bpw):
    wid = lax.axis_index("s") * _NUM_CORES + lax.axis_index("c")
    col0 = wid * bpw
    pltpu.sync_copy(idx_hbm.at[:, pl.ds(col0, bpw)], idx_v)

    def g_start(j, b):
        pltpu.async_copy(table_hbm.at[idx_v.at[j]], bufs[b], gsems[b])

    def g_wait(j, b):
        pltpu.make_async_copy(table_hbm.at[idx_v.at[j]], bufs[b],
                              gsems[b]).wait()

    def s_start(j, b):
        pltpu.async_copy(bufs[b], out_hbm.at[j, pl.ds(col0, bpw)], ssems[b])

    def s_wait(b):
        pltpu.make_async_copy(bufs[b], out_hbm.at[0, pl.ds(col0, bpw)],
                              ssems[b]).wait()

    for p in range(_LEAD):
        g_start(p, p)

    for j in range(_NSLOT):
        g_wait(j, j)
        s_start(j, j)
        jn = j + _LEAD
        bn = jn % _NSLOT
        if jn >= _NSLOT:
            s_wait(bn)
        g_start(jn, bn)

    def step(i, carry):
        for b in range(_NSLOT):
            j = i * _NSLOT + b
            g_wait(j, b)
            s_start(j, b)
            jn = j + _LEAD
            bn = (b + _LEAD) % _NSLOT

            @pl.when(jn < seq)
            def _():
                s_wait(bn)
                g_start(jn, bn)

        return carry

    lax.fori_loop(1, seq // _NSLOT, step, 0)

    for b in range(_NSLOT):
        s_wait(b)


def kernel(indices, weight):
    b0, seq = indices.shape
    vocab, dim = weight.shape
    assert b0 % _NUM_WORKERS == 0
    bpw = b0 // _NUM_WORKERS
    assert seq % _NSLOT == 0

    idx_t = indices.astype(jnp.int32).T

    mesh = plsc.VectorSubcoreMesh(core_axis_name="c", subcore_axis_name="s",
                                  num_cores=_NUM_CORES,
                                  num_subcores=_NUM_SUBCORES)
    grid_kernel = pl.kernel(
        functools.partial(_gather_kernel, seq=seq, bpw=bpw),
        out_type=jax.ShapeDtypeStruct((seq, b0, dim), jnp.float32),
        mesh=mesh,
        scratch_types=[
            pltpu.VMEM((seq, bpw), jnp.int32),
            [pltpu.VMEM((bpw, dim), jnp.float32) for _ in range(_NSLOT)],
            [pltpu.SemaphoreType.DMA for _ in range(_NSLOT)],
            [pltpu.SemaphoreType.DMA for _ in range(_NSLOT)],
        ],
    )
    out = grid_kernel(idx_t, weight)
    return out.transpose(1, 0, 2)

# --- scband reference (transcript-rebuilt; emitter-appended) ---
"""Pipeline reference for scband-invertible-embedding-86835648791050 (READ-ONLY COPY).

The authoritative reference and input builder live on the scoring server;
editing this copy changes nothing except your own understanding.
"""

import jax, jax.numpy as jnp
import numpy as np

NUM_CLASSES = 100000
DIM = 128

def setup_inputs(seed: int = 0) -> dict:
    key = jax.random.key(seed)
    k1, k2 = jax.random.split(key)
    indices = jax.random.randint(k1, (4096, 50), 0, NUM_CLASSES, dtype=jnp.int64 if jax.config.jax_enable_x64 else jnp.int32)
    weight = jax.random.normal(k2, (NUM_CLASSES, DIM), dtype=jnp.float32)
    return {"indices": indices, "weight": weight}

def reference(indices, weight):
    # InvertibleEmbedding.embed: F.embedding(xs, self.weight) -> row gather from table
    return jnp.take(weight, indices, axis=0)

if __name__ == "__main__":
    import jax
    _d = setup_inputs()
    print(jax.jit(kernel)(*tuple(_d.values())))

</pallas_src>

<mosaic_0001>
#map = affine_map<(d0, d1) -> (0, 0)>
#map1 = affine_map<(d0, d1) -> (0, 0, 0)>
module attributes {stable_mosaic.version = 14 : i64} {
  func.func @_gather_kernel(%arg0: i32, %arg1: i32, %arg2: memref<50x4096xi32, #tpu.memory_space<hbm>>, %arg3: memref<100000x128xf32, #tpu.memory_space<hbm>>, %arg4: memref<50x4096x128xf32, #tpu.memory_space<hbm>>, %arg5: memref<50x128xi32, #tpu.memory_space<vmem>>, %arg6: memref<128x128xf32, #tpu.memory_space<vmem>>, %arg7: memref<128x128xf32, #tpu.memory_space<vmem>>, %arg8: memref<128x128xf32, #tpu.memory_space<vmem>>, %arg9: memref<128x128xf32, #tpu.memory_space<vmem>>, %arg10: memref<128x128xf32, #tpu.memory_space<vmem>>, %arg11: memref<!tpu.dma_semaphore, #tpu.memory_space<semaphore_mem>>, %arg12: memref<!tpu.dma_semaphore, #tpu.memory_space<semaphore_mem>>, %arg13: memref<!tpu.dma_semaphore, #tpu.memory_space<semaphore_mem>>, %arg14: memref<!tpu.dma_semaphore, #tpu.memory_space<semaphore_mem>>, %arg15: memref<!tpu.dma_semaphore, #tpu.memory_space<semaphore_mem>>, %arg16: memref<!tpu.dma_semaphore, #tpu.memory_space<semaphore_mem>>, %arg17: memref<!tpu.dma_semaphore, #tpu.memory_space<semaphore_mem>>, %arg18: memref<!tpu.dma_semaphore, #tpu.memory_space<semaphore_mem>>, %arg19: memref<!tpu.dma_semaphore, #tpu.memory_space<semaphore_mem>>, %arg20: memref<!tpu.dma_semaphore, #tpu.memory_space<semaphore_mem>>) attributes {dimension_semantics = [#tpu.dimension_semantics<core_parallel>, #tpu.dimension_semantics<subcore_parallel>], iteration_bounds = array<i64: 2, 16>, scalar_prefetch = 0 : i64, scratch_operands = 16 : i64, tpu.core_type = #tpu.core_type<sc_vector_subcore>, window_params = [{transform_indices = #map}, {transform_indices = #map}, {transform_indices = #map1}]} {
    %mul3A = arith.constant 2 : i32
    %mul3A_0 = arith.muli %arg1, %mul3A : i32
    %add3A = arith.addi %mul3A_0, %arg0 : i32
    %mul3A_1 = arith.constant 128 : i32
    %mul3A_2 = arith.muli %add3A, %mul3A_1 : i32
    "tpu.region"() ({
      %run_scoped3A = tpu.sem_alloc : memref<!tpu.dma_semaphore, #tpu.memory_space<semaphore_mem>>
      %dma_start3A_188 = arith.constant 0 : i32
      %dma_start3A_189 = tpu.memref_slice %arg2[%dma_start3A_188, %mul3A_2] : memref<50x4096xi32, #tpu.memory_space<hbm>> -> memref<50x128xi32, #tpu.memory_space<hbm>>
      %dma_start3A_190 = arith.constant 0 : i32
      %dma_start3A_191 = tpu.memref_slice %arg2[%dma_start3A_190, %mul3A_2] : memref<50x4096xi32, #tpu.memory_space<hbm>> -> memref<50x128xi32, #tpu.memory_space<hbm>>
      tpu.enqueue_dma source(%dma_start3A_191 : memref<50x128xi32, #tpu.memory_space<hbm>>) target(%arg5 : memref<50x128xi32, #tpu.memory_space<vmem>>) target_semaphore(%run_scoped3A : memref<!tpu.dma_semaphore, #tpu.memory_space<semaphore_mem>>)
      %dma_wait3A_192 = arith.constant 0 : i32
      %dma_wait3A_193 = tpu.memref_slice %arg2[%dma_wait3A_192, %mul3A_2] : memref<50x4096xi32, #tpu.memory_space<hbm>> -> memref<50x128xi32, #tpu.memory_space<hbm>>
      %dma_wait3A_194 = arith.constant 0 : i32
      %dma_wait3A_195 = tpu.memref_slice %arg2[%dma_wait3A_194, %mul3A_2] : memref<50x4096xi32, #tpu.memory_space<hbm>> -> memref<50x128xi32, #tpu.memory_space<hbm>>
      tpu.wait_dma2 semaphore(%run_scoped3A : memref<!tpu.dma_semaphore, #tpu.memory_space<semaphore_mem>>) src(%dma_wait3A_195 : memref<50x128xi32, #tpu.memory_space<hbm>>) dst(%arg5 : memref<50x128xi32, #tpu.memory_space<vmem>>)
      tpu.yield
    }) : () -> ()
    %dma_start3A = arith.constant 0 : i32
    %dma_start3A_3 = arith.constant 0 : i32
    %dma_start3A_4 = tpu.memref_slice %arg5[%dma_start3A, %dma_start3A_3] : memref<50x128xi32, #tpu.memory_space<vmem>> -> memref<1x128xi32, #tpu.memory_space<vmem>>
    %dma_start3A_5 = tpu.memref_squeeze %dma_start3A_4 : memref<1x128xi32, #tpu.memory_space<vmem>> -> memref<128xi32, #tpu.memory_space<vmem>>
    %dma_start3A_6 = arith.constant 0 : i32
    %dma_start3A_7 = arith.constant 0 : i32
    %dma_start3A_8 = tpu.memref_slice %arg3[%dma_start3A_6, %dma_start3A_7] : memref<100000x128xf32, #tpu.memory_space<hbm>> -> memref<100000x128xf32, #tpu.memory_space<hbm>>
    tpu.enqueue_indirect_dma source(%dma_start3A_8 : memref<100000x128xf32, #tpu.memory_space<hbm>>) target(%arg6 : memref<128x128xf32, #tpu.memory_space<vmem>>) offsets(%dma_start3A_5 : memref<128xi32, #tpu.memory_space<vmem>>) semaphore(%arg11 : memref<!tpu.dma_semaphore, #tpu.memory_space<semaphore_mem>>)
    %dma_start3A_9 = arith.constant 1 : i32
    %dma_start3A_10 = arith.constant 0 : i32
    %dma_start3A_11 = tpu.memref_slice %arg5[%dma_start3A_9, %dma_start3A_10] : memref<50x128xi32, #tpu.memory_space<vmem>> -> memref<1x128xi32, #tpu.memory_space<vmem>>
    %dma_start3A_12 = tpu.memref_squeeze %dma_start3A_11 : memref<1x128xi32, #tpu.memory_space<vmem>> -> memref<128xi32, #tpu.memory_space<vmem>>
    %dma_start3A_13 = arith.constant 0 : i32
    %dma_start3A_14 = arith.constant 0 : i32
    %dma_start3A_15 = tpu.memref_slice %arg3[%dma_start3A_13, %dma_start3A_14] : memref<100000x128xf32, #tpu.memory_space<hbm>> -> memref<100000x128xf32, #tpu.memory_space<hbm>>
    tpu.enqueue_indirect_dma source(%dma_start3A_15 : memref<100000x128xf32, #tpu.memory_space<hbm>>) target(%arg7 : memref<128x128xf32, #tpu.memory_space<vmem>>) offsets(%dma_start3A_12 : memref<128xi32, #tpu.memory_space<vmem>>) semaphore(%arg12 : memref<!tpu.dma_semaphore, #tpu.memory_space<semaphore_mem>>)
    %dma_start3A_16 = arith.constant 2 : i32
    %dma_start3A_17 = arith.constant 0 : i32
    %dma_start3A_18 = tpu.memref_slice %arg5[%dma_start3A_16, %dma_start3A_17] : memref<50x128xi32, #tpu.memory_space<vmem>> -> memref<1x128xi32, #tpu.memory_space<vmem>>
    %dma_start3A_19 = tpu.memref_squeeze %dma_start3A_18 : memref<1x128xi32, #tpu.memory_space<vmem>> -> memref<128xi32, #tpu.memory_space<vmem>>
    %dma_start3A_20 = arith.constant 0 : i32
    %dma_start3A_21 = arith.constant 0 : i32
    %dma_start3A_22 = tpu.memref_slice %arg3[%dma_start3A_20, %dma_start3A_21] : memref<100000x128xf32, #tpu.memory_space<hbm>> -> memref<100000x128xf32, #tpu.memory_space<hbm>>
    tpu.enqueue_indirect_dma source(%dma_start3A_22 : memref<100000x128xf32, #tpu.memory_space<hbm>>) target(%arg8 : memref<128x128xf32, #tpu.memory_space<vmem>>) offsets(%dma_start3A_19 : memref<128xi32, #tpu.memory_space<vmem>>) semaphore(%arg13 : memref<!tpu.dma_semaphore, #tpu.memory_space<semaphore_mem>>)
    %dma_wait3A = arith.constant 0 : i32
    %dma_wait3A_23 = arith.constant 0 : i32
    %dma_wait3A_24 = tpu.memref_slice %arg5[%dma_wait3A, %dma_wait3A_23] : memref<50x128xi32, #tpu.memory_space<vmem>> -> memref<1x128xi32, #tpu.memory_space<vmem>>
    %dma_wait3A_25 = tpu.memref_squeeze %dma_wait3A_24 : memref<1x128xi32, #tpu.memory_space<vmem>> -> memref<128xi32, #tpu.memory_space<vmem>>
    %dma_wait3A_26 = arith.constant 0 : i32
    %dma_wait3A_27 = arith.constant 0 : i32
    %dma_wait3A_28 = tpu.memref_slice %arg3[%dma_wait3A_26, %dma_wait3A_27] : memref<100000x128xf32, #tpu.memory_space<hbm>> -> memref<100000x128xf32, #tpu.memory_space<hbm>>
    tpu.wait_indirect_dma semaphore(%arg11 : memref<!tpu.dma_semaphore, #tpu.memory_space<semaphore_mem>>) src(%dma_wait3A_28 : memref<100000x128xf32, #tpu.memory_space<hbm>>) dst(%arg6 : memref<128x128xf32, #tpu.memory_space<vmem>>)
    %dma_start3A_29 = arith.constant 0 : i32
    %dma_start3A_30 = arith.constant 0 : i32
    %dma_start3A_31 = tpu.memref_slice %arg4[%dma_start3A_29, %mul3A_2, %dma_start3A_30] : memref<50x4096x128xf32, #tpu.memory_space<hbm>> -> memref<1x128x128xf32, #tpu.memory_space<hbm>>
    %dma_start3A_32 = tpu.memref_squeeze %dma_start3A_31 : memref<1x128x128xf32, #tpu.memory_space<hbm>> -> memref<128x128xf32, #tpu.memory_space<hbm>>
    %dma_start3A_33 = arith.constant 0 : i32
    %dma_start3A_34 = tpu.memref_slice %arg4[%dma_start3A_29, %mul3A_2, %dma_start3A_33] : memref<50x4096x128xf32, #tpu.memory_space<hbm>> -> memref<1x128x128xf32, #tpu.memory_space<hbm>>
    %dma_start3A_35 = tpu.memref_squeeze %dma_start3A_34 : memref<1x128x128xf32, #tpu.memory_space<hbm>> -> memref<128x128xf32, #tpu.memory_space<hbm>>
    tpu.enqueue_dma source(%arg6 : memref<128x128xf32, #tpu.memory_space<vmem>>) target(%dma_start3A_35 : memref<128x128xf32, #tpu.memory_space<hbm>>) target_semaphore(%arg16 : memref<!tpu.dma_semaphore, #tpu.memory_space<semaphore_mem>>)
    %dma_start3A_36 = arith.constant 3 : i32
    %dma_start3A_37 = arith.constant 0 : i32
    %dma_start3A_38 = tpu.memref_slice %arg5[%dma_start3A_36, %dma_start3A_37] : memref<50x128xi32, #tpu.memory_space<vmem>> -> memref<1x128xi32, #tpu.memory_space<vmem>>
    %dma_start3A_39 = tpu.memref_squeeze %dma_start3A_38 : memref<1x128xi32, #tpu.memory_space<vmem>> -> memref<128xi32, #tpu.memory_space<vmem>>
    %dma_start3A_40 = arith.constant 0 : i32
    %dma_start3A_41 = arith.constant 0 : i32
    %dma_start3A_42 = tpu.memref_slice %arg3[%dma_start3A_40, %dma_start3A_41] : memref<100000x128xf32, #tpu.memory_space<hbm>> -> memref<100000x128xf32, #tpu.memory_space<hbm>>
    tpu.enqueue_indirect_dma source(%dma_start3A_42 : memref<100000x128xf32, #tpu.memory_space<hbm>>) target(%arg9 : memref<128x128xf32, #tpu.memory_space<vmem>>) offsets(%dma_start3A_39 : memref<128xi32, #tpu.memory_space<vmem>>) semaphore(%arg14 : memref<!tpu.dma_semaphore, #tpu.memory_space<semaphore_mem>>)
    %dma_wait3A_43 = arith.constant 1 : i32
    %dma_wait3A_44 = arith.constant 0 : i32
    %dma_wait3A_45 = tpu.memref_slice %arg5[%dma_wait3A_43, %dma_wait3A_44] : memref<50x128xi32, #tpu.memory_space<vmem>> -> memref<1x128xi32, #tpu.memory_space<vmem>>
    %dma_wait3A_46 = tpu.memref_squeeze %dma_wait3A_45 : memref<1x128xi32, #tpu.memory_space<vmem>> -> memref<128xi32, #tpu.memory_space<vmem>>
    %dma_wait3A_47 = arith.constant 0 : i32
    %dma_wait3A_48 = arith.constant 0 : i32
    %dma_wait3A_49 = tpu.memref_slice %arg3[%dma_wait3A_47, %dma_wait3A_48] : memref<100000x128xf32, #tpu.memory_space<hbm>> -> memref<100000x128xf32, #tpu.memory_space<hbm>>
    tpu.wait_indirect_dma semaphore(%arg12 : memref<!tpu.dma_semaphore, #tpu.memory_space<semaphore_mem>>) src(%dma_wait3A_49 : memref<100000x128xf32, #tpu.memory_space<hbm>>) dst(%arg7 : memref<128x128xf32, #tpu.memory_space<vmem>>)
    %dma_start3A_50 = arith.constant 1 : i32
    %dma_start3A_51 = arith.constant 0 : i32
    %dma_start3A_52 = tpu.memref_slice %arg4[%dma_start3A_50, %mul3A_2, %dma_start3A_51] : memref<50x4096x128xf32, #tpu.memory_space<hbm>> -> memref<1x128x128xf32, #tpu.memory_space<hbm>>
    %dma_start3A_53 = tpu.memref_squeeze %dma_start3A_52 : memref<1x128x128xf32, #tpu.memory_space<hbm>> -> memref<128x128xf32, #tpu.memory_space<hbm>>
    %dma_start3A_54 = arith.constant 0 : i32
    %dma_start3A_55 = tpu.memref_slice %arg4[%dma_start3A_50, %mul3A_2, %dma_start3A_54] : memref<50x4096x128xf32, #tpu.memory_space<hbm>> -> memref<1x128x128xf32, #tpu.memory_space<hbm>>
    %dma_start3A_56 = tpu.memref_squeeze %dma_start3A_55 : memref<1x128x128xf32, #tpu.memory_space<hbm>> -> memref<128x128xf32, #tpu.memory_space<hbm>>
    tpu.enqueue_dma source(%arg7 : memref<128x128xf32, #tpu.memory_space<vmem>>) target(%dma_start3A_56 : memref<128x128xf32, #tpu.memory_space<hbm>>) target_semaphore(%arg17 : memref<!tpu.dma_semaphore, #tpu.memory_space<semaphore_mem>>)
    %dma_start3A_57 = arith.constant 4 : i32
    %dma_start3A_58 = arith.constant 0 : i32
    %dma_start3A_59 = tpu.memref_slice %arg5[%dma_start3A_57, %dma_start3A_58] : memref<50x128xi32, #tpu.memory_space<vmem>> -> memref<1x128xi32, #tpu.memory_space<vmem>>
    %dma_start3A_60 = tpu.memref_squeeze %dma_start3A_59 : memref<1x128xi32, #tpu.memory_space<vmem>> -> memref<128xi32, #tpu.memory_space<vmem>>
    %dma_start3A_61 = arith.constant 0 : i32
    %dma_start3A_62 = arith.constant 0 : i32
    %dma_start3A_63 = tpu.memref_slice %arg3[%dma_start3A_61, %dma_start3A_62] : memref<100000x128xf32, #tpu.memory_space<hbm>> -> memref<100000x128xf32, #tpu.memory_space<hbm>>
    tpu.enqueue_indirect_dma source(%dma_start3A_63 : memref<100000x128xf32, #tpu.memory_space<hbm>>) target(%arg10 : memref<128x128xf32, #tpu.memory_space<vmem>>) offsets(%dma_start3A_60 : memref<128xi32, #tpu.memory_space<vmem>>) semaphore(%arg15 : memref<!tpu.dma_semaphore, #tpu.memory_space<semaphore_mem>>)
    %dma_wait3A_64 = arith.constant 2 : i32
    %dma_wait3A_65 = arith.constant 0 : i32
    %dma_wait3A_66 = tpu.memref_slice %arg5[%dma_wait3A_64, %dma_wait3A_65] : memref<50x128xi32, #tpu.memory_space<vmem>> -> memref<1x128xi32, #tpu.memory_space<vmem>>
    %dma_wait3A_67 = tpu.memref_squeeze %dma_wait3A_66 : memref<1x128xi32, #tpu.memory_space<vmem>> -> memref<128xi32, #tpu.memory_space<vmem>>
    %dma_wait3A_68 = arith.constant 0 : i32
    %dma_wait3A_69 = arith.constant 0 : i32
    %dma_wait3A_70 = tpu.memref_slice %arg3[%dma_wait3A_68, %dma_wait3A_69] : memref<100000x128xf32, #tpu.memory_space<hbm>> -> memref<100000x128xf32, #tpu.memory_space<hbm>>
    tpu.wait_indirect_dma semaphore(%arg13 : memref<!tpu.dma_semaphore, #tpu.memory_space<semaphore_mem>>) src(%dma_wait3A_70 : memref<100000x128xf32, #tpu.memory_space<hbm>>) dst(%arg8 : memref<128x128xf32, #tpu.memory_space<vmem>>)
    %dma_start3A_71 = arith.constant 2 : i32
    %dma_start3A_72 = arith.constant 0 : i32
    %dma_start3A_73 = tpu.memref_slice %arg4[%dma_start3A_71, %mul3A_2, %dma_start3A_72] : memref<50x4096x128xf32, #tpu.memory_space<hbm>> -> memref<1x128x128xf32, #tpu.memory_space<hbm>>
    %dma_start3A_74 = tpu.memref_squeeze %dma_start3A_73 : memref<1x128x128xf32, #tpu.memory_space<hbm>> -> memref<128x128xf32, #tpu.memory_space<hbm>>
    %dma_start3A_75 = arith.constant 0 : i32
    %dma_start3A_76 = tpu.memref_slice %arg4[%dma_start3A_71, %mul3A_2, %dma_start3A_75] : memref<50x4096x128xf32, #tpu.memory_space<hbm>> -> memref<1x128x128xf32, #tpu.memory_space<hbm>>
    %dma_start3A_77 = tpu.memref_squeeze %dma_start3A_76 : memref<1x128x128xf32, #tpu.memory_space<hbm>> -> memref<128x128xf32, #tpu.memory_space<hbm>>
    tpu.enqueue_dma source(%arg8 : memref<128x128xf32, #tpu.memory_space<vmem>>) target(%dma_start3A_77 : memref<128x128xf32, #tpu.memory_space<hbm>>) target_semaphore(%arg18 : memref<!tpu.dma_semaphore, #tpu.memory_space<semaphore_mem>>)
    %dma_wait3A_78 = arith.constant 0 : i32
    %dma_wait3A_79 = arith.constant 0 : i32
    %dma_wait3A_80 = tpu.memref_slice %arg4[%dma_wait3A_78, %mul3A_2, %dma_wait3A_79] : memref<50x4096x128xf32, #tpu.memory_space<hbm>> -> memref<1x128x128xf32, #tpu.memory_space<hbm>>
    %dma_wait3A_81 = tpu.memref_squeeze %dma_wait3A_80 : memref<1x128x128xf32, #tpu.memory_space<hbm>> -> memref<128x128xf32, #tpu.memory_space<hbm>>
    %dma_wait3A_82 = arith.constant 0 : i32
    %dma_wait3A_83 = tpu.memref_slice %arg4[%dma_wait3A_78, %mul3A_2, %dma_wait3A_82] : memref<50x4096x128xf32, #tpu.memory_space<hbm>> -> memref<1x128x128xf32, #tpu.memory_space<hbm>>
    %dma_wait3A_84 = tpu.memref_squeeze %dma_wait3A_83 : memref<1x128x128xf32, #tpu.memory_space<hbm>> -> memref<128x128xf32, #tpu.memory_space<hbm>>
    tpu.wait_dma2 semaphore(%arg16 : memref<!tpu.dma_semaphore, #tpu.memory_space<semaphore_mem>>) src(%arg6 : memref<128x128xf32, #tpu.memory_space<vmem>>) dst(%dma_wait3A_84 : memref<128x128xf32, #tpu.memory_space<hbm>>)
    %dma_start3A_85 = arith.constant 5 : i32
    %dma_start3A_86 = arith.constant 0 : i32
    %dma_start3A_87 = tpu.memref_slice %arg5[%dma_start3A_85, %dma_start3A_86] : memref<50x128xi32, #tpu.memory_space<vmem>> -> memref<1x128xi32, #tpu.memory_space<vmem>>
    %dma_start3A_88 = tpu.memref_squeeze %dma_start3A_87 : memref<1x128xi32, #tpu.memory_space<vmem>> -> memref<128xi32, #tpu.memory_space<vmem>>
    %dma_start3A_89 = arith.constant 0 : i32
    %dma_start3A_90 = arith.constant 0 : i32
    %dma_start3A_91 = tpu.memref_slice %arg3[%dma_start3A_89, %dma_start3A_90] : memref<100000x128xf32, #tpu.memory_space<hbm>> -> memref<100000x128xf32, #tpu.memory_space<hbm>>
    tpu.enqueue_indirect_dma source(%dma_start3A_91 : memref<100000x128xf32, #tpu.memory_space<hbm>>) target(%arg6 : memref<128x128xf32, #tpu.memory_space<vmem>>) offsets(%dma_start3A_88 : memref<128xi32, #tpu.memory_space<vmem>>) semaphore(%arg11 : memref<!tpu.dma_semaphore, #tpu.memory_space<semaphore_mem>>)
    %dma_wait3A_92 = arith.constant 3 : i32
    %dma_wait3A_93 = arith.constant 0 : i32
    %dma_wait3A_94 = tpu.memref_slice %arg5[%dma_wait3A_92, %dma_wait3A_93] : memref<50x128xi32, #tpu.memory_space<vmem>> -> memref<1x128xi32, #tpu.memory_space<vmem>>
    %dma_wait3A_95 = tpu.memref_squeeze %dma_wait3A_94 : memref<1x128xi32, #tpu.memory_space<vmem>> -> memref<128xi32, #tpu.memory_space<vmem>>
    %dma_wait3A_96 = arith.constant 0 : i32
    %dma_wait3A_97 = arith.constant 0 : i32
    %dma_wait3A_98 = tpu.memref_slice %arg3[%dma_wait3A_96, %dma_wait3A_97] : memref<100000x128xf32, #tpu.memory_space<hbm>> -> memref<100000x128xf32, #tpu.memory_space<hbm>>
    tpu.wait_indirect_dma semaphore(%arg14 : memref<!tpu.dma_semaphore, #tpu.memory_space<semaphore_mem>>) src(%dma_wait3A_98 : memref<100000x128xf32, #tpu.memory_space<hbm>>) dst(%arg9 : memref<128x128xf32, #tpu.memory_space<vmem>>)
    %dma_start3A_99 = arith.constant 3 : i32
    %dma_start3A_100 = arith.constant 0 : i32
    %dma_start3A_101 = tpu.memref_slice %arg4[%dma_start3A_99, %mul3A_2, %dma_start3A_100] : memref<50x4096x128xf32, #tpu.memory_space<hbm>> -> memref<1x128x128xf32, #tpu.memory_space<hbm>>
    %dma_start3A_102 = tpu.memref_squeeze %dma_start3A_101 : memref<1x128x128xf32, #tpu.memory_space<hbm>> -> memref<128x128xf32, #tpu.memory_space<hbm>>
    %dma_start3A_103 = arith.constant 0 : i32
    %dma_start3A_104 = tpu.memref_slice %arg4[%dma_start3A_99, %mul3A_2, %dma_start3A_103] : memref<50x4096x128xf32, #tpu.memory_space<hbm>> -> memref<1x128x128xf32, #tpu.memory_space<hbm>>
    %dma_start3A_105 = tpu.memref_squeeze %dma_start3A_104 : memref<1x128x128xf32, #tpu.memory_space<hbm>> -> memref<128x128xf32, #tpu.memory_space<hbm>>
    tpu.enqueue_dma source(%arg9 : memref<128x128xf32, #tpu.memory_space<vmem>>) target(%dma_start3A_105 : memref<128x128xf32, #tpu.memory_space<hbm>>) target_semaphore(%arg19 : memref<!tpu.dma_semaphore, #tpu.memory_space<semaphore_mem>>)
    %dma_wait3A_106 = arith.constant 0 : i32
    %dma_wait3A_107 = arith.constant 0 : i32
    %dma_wait3A_108 = tpu.memref_slice %arg4[%dma_wait3A_106, %mul3A_2, %dma_wait3A_107] : memref<50x4096x128xf32, #tpu.memory_space<hbm>> -> memref<1x128x128xf32, #tpu.memory_space<hbm>>
    %dma_wait3A_109 = tpu.memref_squeeze %dma_wait3A_108 : memref<1x128x128xf32, #tpu.memory_space<hbm>> -> memref<128x128xf32, #tpu.memory_space<hbm>>
    %dma_wait3A_110 = arith.constant 0 : i32
    %dma_wait3A_111 = tpu.memref_slice %arg4[%dma_wait3A_106, %mul3A_2, %dma_wait3A_110] : memref<50x4096x128xf32, #tpu.memory_space<hbm>> -> memref<1x128x128xf32, #tpu.memory_space<hbm>>
    %dma_wait3A_112 = tpu.memref_squeeze %dma_wait3A_111 : memref<1x128x128xf32, #tpu.memory_space<hbm>> -> memref<128x128xf32, #tpu.memory_space<hbm>>
    tpu.wait_dma2 semaphore(%arg17 : memref<!tpu.dma_semaphore, #tpu.memory_space<semaphore_mem>>) src(%arg7 : memref<128x128xf32, #tpu.memory_space<vmem>>) dst(%dma_wait3A_112 : memref<128x128xf32, #tpu.memory_space<hbm>>)
    %dma_start3A_113 = arith.constant 6 : i32
    %dma_start3A_114 = arith.constant 0 : i32
    %dma_start3A_115 = tpu.memref_slice %arg5[%dma_start3A_113, %dma_start3A_114] : memref<50x128xi32, #tpu.memory_space<vmem>> -> memref<1x128xi32, #tpu.memory_space<vmem>>
    %dma_start3A_116 = tpu.memref_squeeze %dma_start3A_115 : memref<1x128xi32, #tpu.memory_space<vmem>> -> memref<128xi32, #tpu.memory_space<vmem>>
    %dma_start3A_117 = arith.constant 0 : i32
    %dma_start3A_118 = arith.constant 0 : i32
    %dma_start3A_119 = tpu.memref_slice %arg3[%dma_start3A_117, %dma_start3A_118] : memref<100000x128xf32, #tpu.memory_space<hbm>> -> memref<100000x128xf32, #tpu.memory_space<hbm>>
    tpu.enqueue_indirect_dma source(%dma_start3A_119 : memref<100000x128xf32, #tpu.memory_space<hbm>>) target(%arg7 : memref<128x128xf32, #tpu.memory_space<vmem>>) offsets(%dma_start3A_116 : memref<128xi32, #tpu.memory_space<vmem>>) semaphore(%arg12 : memref<!tpu.dma_semaphore, #tpu.memory_space<semaphore_mem>>)
    %dma_wait3A_120 = arith.constant 4 : i32
    %dma_wait3A_121 = arith.constant 0 : i32
    %dma_wait3A_122 = tpu.memref_slice %arg5[%dma_wait3A_120, %dma_wait3A_121] : memref<50x128xi32, #tpu.memory_space<vmem>> -> memref<1x128xi32, #tpu.memory_space<vmem>>
    %dma_wait3A_123 = tpu.memref_squeeze %dma_wait3A_122 : memref<1x128xi32, #tpu.memory_space<vmem>> -> memref<128xi32, #tpu.memory_space<vmem>>
    %dma_wait3A_124 = arith.constant 0 : i32
    %dma_wait3A_125 = arith.constant 0 : i32
    %dma_wait3A_126 = tpu.memref_slice %arg3[%dma_wait3A_124, %dma_wait3A_125] : memref<100000x128xf32, #tpu.memory_space<hbm>> -> memref<100000x128xf32, #tpu.memory_space<hbm>>
    tpu.wait_indirect_dma semaphore(%arg15 : memref<!tpu.dma_semaphore, #tpu.memory_space<semaphore_mem>>) src(%dma_wait3A_126 : memref<100000x128xf32, #tpu.memory_space<hbm>>) dst(%arg10 : memref<128x128xf32, #tpu.memory_space<vmem>>)
    %dma_start3A_127 = arith.constant 4 : i32
    %dma_start3A_128 = arith.constant 0 : i32
    %dma_start3A_129 = tpu.memref_slice %arg4[%dma_start3A_127, %mul3A_2, %dma_start3A_128] : memref<50x4096x128xf32, #tpu.memory_space<hbm>> -> memref<1x128x128xf32, #tpu.memory_space<hbm>>
    %dma_start3A_130 = tpu.memref_squeeze %dma_start3A_129 : memref<1x128x128xf32, #tpu.memory_space<hbm>> -> memref<128x128xf32, #tpu.memory_space<hbm>>
    %dma_start3A_131 = arith.constant 0 : i32
    %dma_start3A_132 = tpu.memref_slice %arg4[%dma_start3A_127, %mul3A_2, %dma_start3A_131] : memref<50x4096x128xf32, #tpu.memory_space<hbm>> -> memref<1x128x128xf32, #tpu.memory_space<hbm>>
    %dma_start3A_133 = tpu.memref_squeeze %dma_start3A_132 : memref<1x128x128xf32, #tpu.memory_space<hbm>> -> memref<128x128xf32, #tpu.memory_space<hbm>>
    tpu.enqueue_dma source(%arg10 : memref<128x128xf32, #tpu.memory_space<vmem>>) target(%dma_start3A_133 : memref<128x128xf32, #tpu.memory_space<hbm>>) target_semaphore(%arg20 : memref<!tpu.dma_semaphore, #tpu.memory_space<semaphore_mem>>)
    %dma_wait3A_134 = arith.constant 0 : i32
    %dma_wait3A_135 = arith.constant 0 : i32
    %dma_wait3A_136 = tpu.memref_slice %arg4[%dma_wait3A_134, %mul3A_2, %dma_wait3A_135] : memref<50x4096x128xf32, #tpu.memory_space<hbm>> -> memref<1x128x128xf32, #tpu.memory_space<hbm>>
    %dma_wait3A_137 = tpu.memref_squeeze %dma_wait3A_136 : memref<1x128x128xf32, #tpu.memory_space<hbm>> -> memref<128x128xf32, #tpu.memory_space<hbm>>
    %dma_wait3A_138 = arith.constant 0 : i32
    %dma_wait3A_139 = tpu.memref_slice %arg4[%dma_wait3A_134, %mul3A_2, %dma_wait3A_138] : memref<50x4096x128xf32, #tpu.memory_space<hbm>> -> memref<1x128x128xf32, #tpu.memory_space<hbm>>
    %dma_wait3A_140 = tpu.memref_squeeze %dma_wait3A_139 : memref<1x128x128xf32, #tpu.memory_space<hbm>> -> memref<128x128xf32, #tpu.memory_space<hbm>>
    tpu.wait_dma2 semaphore(%arg18 : memref<!tpu.dma_semaphore, #tpu.memory_space<semaphore_mem>>) src(%arg8 : memref<128x128xf32, #tpu.memory_space<vmem>>) dst(%dma_wait3A_140 : memref<128x128xf32, #tpu.memory_space<hbm>>)
    %dma_start3A_141 = arith.constant 7 : i32
    %dma_start3A_142 = arith.constant 0 : i32
    %dma_start3A_143 = tpu.memref_slice %arg5[%dma_start3A_141, %dma_start3A_142] : memref<50x128xi32, #tpu.memory_space<vmem>> -> memref<1x128xi32, #tpu.memory_space<vmem>>
    %dma_start3A_144 = tpu.memref_squeeze %dma_start3A_143 : memref<1x128xi32, #tpu.memory_space<vmem>> -> memref<128xi32, #tpu.memory_space<vmem>>
    %dma_start3A_145 = arith.constant 0 : i32
    %dma_start3A_146 = arith.constant 0 : i32
    %dma_start3A_147 = tpu.memref_slice %arg3[%dma_start3A_145, %dma_start3A_146] : memref<100000x128xf32, #tpu.memory_space<hbm>> -> memref<100000x128xf32, #tpu.memory_space<hbm>>
    tpu.enqueue_indirect_dma source(%dma_start3A_147 : memref<100000x128xf32, #tpu.memory_space<hbm>>) target(%arg8 : memref<128x128xf32, #tpu.memory_space<vmem>>) offsets(%dma_start3A_144 : memref<128xi32, #tpu.memory_space<vmem>>) semaphore(%arg13 : memref<!tpu.dma_semaphore, #tpu.memory_space<semaphore_mem>>)
    %scan3A = arith.constant 0 : i32
    %scan3A_148 = arith.constant 1 : i32
    %scan3A_149 = arith.constant 9 : i32
    %scan3A_150 = arith.addi %scan3A_148, %scan3A_149 : i32
    %scan3A_151 = arith.constant 1 : i32
    scf.for %scan3A_188 = %scan3A_148 to %scan3A_150 step %scan3A_151  : i32 {
      %mul3A_189 = arith.constant 5 : i32
      %mul3A_190 = arith.muli %scan3A_188, %mul3A_189 : i32
      %add3A_191 = arith.constant 0 : i32
      %add3A_192 = arith.addi %mul3A_190, %add3A_191 : i32
      %dma_wait3A_193 = arith.constant 0 : i32
      %dma_wait3A_194 = tpu.memref_slice %arg5[%add3A_192, %dma_wait3A_193] : memref<50x128xi32, #tpu.memory_space<vmem>> -> memref<1x128xi32, #tpu.memory_space<vmem>>
      %dma_wait3A_195 = tpu.memref_squeeze %dma_wait3A_194 : memref<1x128xi32, #tpu.memory_space<vmem>> -> memref<128xi32, #tpu.memory_space<vmem>>
      %dma_wait3A_196 = arith.constant 0 : i32
      %dma_wait3A_197 = arith.constant 0 : i32
      %dma_wait3A_198 = tpu.memref_slice %arg3[%dma_wait3A_196, %dma_wait3A_197] : memref<100000x128xf32, #tpu.memory_space<hbm>> -> memref<100000x128xf32, #tpu.memory_space<hbm>>
      tpu.wait_indirect_dma semaphore(%arg11 : memref<!tpu.dma_semaphore, #tpu.memory_space<semaphore_mem>>) src(%dma_wait3A_198 : memref<100000x128xf32, #tpu.memory_space<hbm>>) dst(%arg6 : memref<128x128xf32, #tpu.memory_space<vmem>>)
      %dma_start3A_199 = arith.constant 0 : i32
      %dma_start3A_200 = tpu.memref_slice %arg4[%add3A_192, %mul3A_2, %dma_start3A_199] : memref<50x4096x128xf32, #tpu.memory_space<hbm>> -> memref<1x128x128xf32, #tpu.memory_space<hbm>>
      %dma_start3A_201 = tpu.memref_squeeze %dma_start3A_200 : memref<1x128x128xf32, #tpu.memory_space<hbm>> -> memref<128x128xf32, #tpu.memory_space<hbm>>
      %dma_start3A_202 = arith.constant 0 : i32
      %dma_start3A_203 = tpu.memref_slice %arg4[%add3A_192, %mul3A_2, %dma_start3A_202] : memref<50x4096x128xf32, #tpu.memory_space<hbm>> -> memref<1x128x128xf32, #tpu.memory_space<hbm>>
      %dma_start3A_204 = tpu.memref_squeeze %dma_start3A_203 : memref<1x128x128xf32, #tpu.memory_space<hbm>> -> memref<128x128xf32, #tpu.memory_space<hbm>>
      tpu.enqueue_dma source(%arg6 : memref<128x128xf32, #tpu.memory_space<vmem>>) target(%dma_start3A_204 : memref<128x128xf32, #tpu.memory_space<hbm>>) target_semaphore(%arg16 : memref<!tpu.dma_semaphore, #tpu.memory_space<semaphore_mem>>)
      %add3A_205 = arith.constant 3 : i32
      %add3A_206 = arith.addi %add3A_192, %add3A_205 : i32
      %lt3A = arith.constant 50 : i32
      %lt3A_207 = arith.cmpi slt, %add3A_206, %lt3A : i32
      %convert_element_type3A = arith.extui %lt3A_207 : i1 to i32
      %cond3A = arith.constant 0 : i32
      %cond3A_208 = arith.cmpi ne, %convert_element_type3A, %cond3A : i32
      scf.if %cond3A_208 {
        %dma_wait3A_301 = arith.constant 0 : i32
        %dma_wait3A_302 = arith.constant 0 : i32
        %dma_wait3A_303 = tpu.memref_slice %arg4[%dma_wait3A_301, %mul3A_2, %dma_wait3A_302] : memref<50x4096x128xf32, #tpu.memory_space<hbm>> -> memref<1x128x128xf32, #tpu.memory_space<hbm>>
        %dma_wait3A_304 = tpu.memref_squeeze %dma_wait3A_303 : memref<1x128x128xf32, #tpu.memory_space<hbm>> -> memref<128x128xf32, #tpu.memory_space<hbm>>
        %dma_wait3A_305 = arith.constant 0 : i32
        %dma_wait3A_306 = tpu.memref_slice %arg4[%dma_wait3A_301, %mul3A_2, %dma_wait3A_305] : memref<50x4096x128xf32, #tpu.memory_space<hbm>> -> memref<1x128x128xf32, #tpu.memory_space<hbm>>
        %dma_wait3A_307 = tpu.memref_squeeze %dma_wait3A_306 : memref<1x128x128xf32, #tpu.memory_space<hbm>> -> memref<128x128xf32, #tpu.memory_space<hbm>>
        tpu.wait_dma2 semaphore(%arg19 : memref<!tpu.dma_semaphore, #tpu.memory_space<semaphore_mem>>) src(%arg9 : memref<128x128xf32, #tpu.memory_space<vmem>>) dst(%dma_wait3A_307 : memref<128x128xf32, #tpu.memory_space<hbm>>)
        %dma_start3A_308 = arith.constant 0 : i32
        %dma_start3A_309 = tpu.memref_slice %arg5[%add3A_206, %dma_start3A_308] : memref<50x128xi32, #tpu.memory_space<vmem>> -> memref<1x128xi32, #tpu.memory_space<vmem>>
        %dma_start3A_310 = tpu.memref_squeeze %dma_start3A_309 : memref<1x128xi32, #tpu.memory_space<vmem>> -> memref<128xi32, #tpu.memory_space<vmem>>
        %dma_start3A_311 = arith.constant 0 : i32
        %dma_start3A_312 = arith.constant 0 : i32
        %dma_start3A_313 = tpu.memref_slice %arg3[%dma_start3A_311, %dma_start3A_312] : memref<100000x128xf32, #tpu.memory_space<hbm>> -> memref<100000x128xf32, #tpu.memory_space<hbm>>
        tpu.enqueue_indirect_dma source(%dma_start3A_313 : memref<100000x128xf32, #tpu.memory_space<hbm>>) target(%arg9 : memref<128x128xf32, #tpu.memory_space<vmem>>) offsets(%dma_start3A_310 : memref<128xi32, #tpu.memory_space<vmem>>) semaphore(%arg14 : memref<!tpu.dma_semaphore, #tpu.memory_space<semaphore_mem>>)
      } else {
      }
      %mul3A_209 = arith.constant 5 : i32
      %mul3A_210 = arith.muli %scan3A_188, %mul3A_209 : i32
      %add3A_211 = arith.constant 1 : i32
      %add3A_212 = arith.addi %mul3A_210, %add3A_211 : i32
      %dma_wait3A_213 = arith.constant 0 : i32
      %dma_wait3A_214 = tpu.memref_slice %arg5[%add3A_212, %dma_wait3A_213] : memref<50x128xi32, #tpu.memory_space<vmem>> -> memref<1x128xi32, #tpu.memory_space<vmem>>
      %dma_wait3A_215 = tpu.memref_squeeze %dma_wait3A_214 : memref<1x128xi32, #tpu.memory_space<vmem>> -> memref<128xi32, #tpu.memory_space<vmem>>
      %dma_wait3A_216 = arith.constant 0 : i32
      %dma_wait3A_217 = arith.constant 0 : i32
      %dma_wait3A_218 = tpu.memref_slice %arg3[%dma_wait3A_216, %dma_wait3A_217] : memref<100000x128xf32, #tpu.memory_space<hbm>> -> memref<100000x128xf32, #tpu.memory_space<hbm>>
      tpu.wait_indirect_dma semaphore(%arg12 : memref<!tpu.dma_semaphore, #tpu.memory_space<semaphore_mem>>) src(%dma_wait3A_218 : memref<100000x128xf32, #tpu.memory_space<hbm>>) dst(%arg7 : memref<128x128xf32, #tpu.memory_space<vmem>>)
      %dma_start3A_219 = arith.constant 0 : i32
      %dma_start3A_220 = tpu.memref_slice %arg4[%add3A_212, %mul3A_2, %dma_start3A_219] : memref<50x4096x128xf32, #tpu.memory_space<hbm>> -> memref<1x128x128xf32, #tpu.memory_space<hbm>>
      %dma_start3A_221 = tpu.memref_squeeze %dma_start3A_220 : memref<1x128x128xf32, #tpu.memory_space<hbm>> -> memref<128x128xf32, #tpu.memory_space<hbm>>
      %dma_start3A_222 = arith.constant 0 : i32
      %dma_start3A_223 = tpu.memref_slice %arg4[%add3A_212, %mul3A_2, %dma_start3A_222] : memref<50x4096x128xf32, #tpu.memory_space<hbm>> -> memref<1x128x128xf32, #tpu.memory_space<hbm>>
      %dma_start3A_224 = tpu.memref_squeeze %dma_start3A_223 : memref<1x128x128xf32, #tpu.memory_space<hbm>> -> memref<128x128xf32, #tpu.memory_space<hbm>>
      tpu.enqueue_dma source(%arg7 : memref<128x128xf32, #tpu.memory_space<vmem>>) target(%dma_start3A_224 : memref<128x128xf32, #tpu.memory_space<hbm>>) target_semaphore(%arg17 : memref<!tpu.dma_semaphore, #tpu.memory_space<semaphore_mem>>)
      %add3A_225 = arith.constant 3 : i32
      %add3A_226 = arith.addi %add3A_212, %add3A_225 : i32
      %lt3A_227 = arith.constant 50 : i32
      %lt3A_228 = arith.cmpi slt, %add3A_226, %lt3A_227 : i32
      %convert_element_type3A_229 = arith.extui %lt3A_228 : i1 to i32
      %cond3A_230 = arith.constant 0 : i32
      %cond3A_231 = arith.cmpi ne, %convert_element_type3A_229, %cond3A_230 : i32
      scf.if %cond3A_231 {
        %dma_wait3A_301 = arith.constant 0 : i32
        %dma_wait3A_302 = arith.constant 0 : i32
        %dma_wait3A_303 = tpu.memref_slice %arg4[%dma_wait3A_301, %mul3A_2, %dma_wait3A_302] : memref<50x4096x128xf32, #tpu.memory_space<hbm>> -> memref<1x128x128xf32, #tpu.memory_space<hbm>>
        %dma_wait3A_304 = tpu.memref_squeeze %dma_wait3A_303 : memref<1x128x128xf32, #tpu.memory_space<hbm>> -> memref<128x128xf32, #tpu.memory_space<hbm>>
        %dma_wait3A_305 = arith.constant 0 : i32
        %dma_wait3A_306 = tpu.memref_slice %arg4[%dma_wait3A_301, %mul3A_2, %dma_wait3A_305] : memref<50x4096x128xf32, #tpu.memory_space<hbm>> -> memref<1x128x128xf32, #tpu.memory_space<hbm>>
        %dma_wait3A_307 = tpu.memref_squeeze %dma_wait3A_306 : memref<1x128x128xf32, #tpu.memory_space<hbm>> -> memref<128x128xf32, #tpu.memory_space<hbm>>
        tpu.wait_dma2 semaphore(%arg20 : memref<!tpu.dma_semaphore, #tpu.memory_space<semaphore_mem>>) src(%arg10 : memref<128x128xf32, #tpu.memory_space<vmem>>) dst(%dma_wait3A_307 : memref<128x128xf32, #tpu.memory_space<hbm>>)
        %dma_start3A_308 = arith.constant 0 : i32
        %dma_start3A_309 = tpu.memref_slice %arg5[%add3A_226, %dma_start3A_308] : memref<50x128xi32, #tpu.memory_space<vmem>> -> memref<1x128xi32, #tpu.memory_space<vmem>>
        %dma_start3A_310 = tpu.memref_squeeze %dma_start3A_309 : memref<1x128xi32, #tpu.memory_space<vmem>> -> memref<128xi32, #tpu.memory_space<vmem>>
        %dma_start3A_311 = arith.constant 0 : i32
        %dma_start3A_312 = arith.constant 0 : i32
        %dma_start3A_313 = tpu.memref_slice %arg3[%dma_start3A_311, %dma_start3A_312] : memref<100000x128xf32, #tpu.memory_space<hbm>> -> memref<100000x128xf32, #tpu.memory_space<hbm>>
        tpu.enqueue_indirect_dma source(%dma_start3A_313 : memref<100000x128xf32, #tpu.memory_space<hbm>>) target(%arg10 : memref<128x128xf32, #tpu.memory_space<vmem>>) offsets(%dma_start3A_310 : memref<128xi32, #tpu.memory_space<vmem>>) semaphore(%arg15 : memref<!tpu.dma_semaphore, #tpu.memory_space<semaphore_mem>>)
      } else {
      }
      %mul3A_232 = arith.constant 5 : i32
      %mul3A_233 = arith.muli %scan3A_188, %mul3A_232 : i32
      %add3A_234 = arith.constant 2 : i32
      %add3A_235 = arith.addi %mul3A_233, %add3A_234 : i32
      %dma_wait3A_236 = arith.constant 0 : i32
      %dma_wait3A_237 = tpu.memref_slice %arg5[%add3A_235, %dma_wait3A_236] : memref<50x128xi32, #tpu.memory_space<vmem>> -> memref<1x128xi32, #tpu.memory_space<vmem>>
      %dma_wait3A_238 = tpu.memref_squeeze %dma_wait3A_237 : memref<1x128xi32, #tpu.memory_space<vmem>> -> memref<128xi32, #tpu.memory_space<vmem>>
      %dma_wait3A_239 = arith.constant 0 : i32
      %dma_wait3A_240 = arith.constant 0 : i32
      %dma_wait3A_241 = tpu.memref_slice %arg3[%dma_wait3A_239, %dma_wait3A_240] : memref<100000x128xf32, #tpu.memory_space<hbm>> -> memref<100000x128xf32, #tpu.memory_space<hbm>>
      tpu.wait_indirect_dma semaphore(%arg13 : memref<!tpu.dma_semaphore, #tpu.memory_space<semaphore_mem>>) src(%dma_wait3A_241 : memref<100000x128xf32, #tpu.memory_space<hbm>>) dst(%arg8 : memref<128x128xf32, #tpu.memory_space<vmem>>)
      %dma_start3A_242 = arith.constant 0 : i32
      %dma_start3A_243 = tpu.memref_slice %arg4[%add3A_235, %mul3A_2, %dma_start3A_242] : memref<50x4096x128xf32, #tpu.memory_space<hbm>> -> memref<1x128x128xf32, #tpu.memory_space<hbm>>
      %dma_start3A_244 = tpu.memref_squeeze %dma_start3A_243 : memref<1x128x128xf32, #tpu.memory_space<hbm>> -> memref<128x128xf32, #tpu.memory_space<hbm>>
      %dma_start3A_245 = arith.constant 0 : i32
      %dma_start3A_246 = tpu.memref_slice %arg4[%add3A_235, %mul3A_2, %dma_start3A_245] : memref<50x4096x128xf32, #tpu.memory_space<hbm>> -> memref<1x128x128xf32, #tpu.memory_space<hbm>>
      %dma_start3A_247 = tpu.memref_squeeze %dma_start3A_246 : memref<1x128x128xf32, #tpu.memory_space<hbm>> -> memref<128x128xf32, #tpu.memory_space<hbm>>
      tpu.enqueue_dma source(%arg8 : memref<128x128xf32, #tpu.memory_space<vmem>>) target(%dma_start3A_247 : memref<128x128xf32, #tpu.memory_space<hbm>>) target_semaphore(%arg18 : memref<!tpu.dma_semaphore, #tpu.memory_space<semaphore_mem>>)
      %add3A_248 = arith.constant 3 : i32
      %add3A_249 = arith.addi %add3A_235, %add3A_248 : i32
      %lt3A_250 = arith.constant 50 : i32
      %lt3A_251 = arith.cmpi slt, %add3A_249, %lt3A_250 : i32
      %convert_element_type3A_252 = arith.extui %lt3A_251 : i1 to i32
      %cond3A_253 = arith.constant 0 : i32
      %cond3A_254 = arith.cmpi ne, %convert_element_type3A_252, %cond3A_253 : i32
      scf.if %cond3A_254 {
        %dma_wait3A_301 = arith.constant 0 : i32
        %dma_wait3A_302 = arith.constant 0 : i32
        %dma_wait3A_303 = tpu.memref_slice %arg4[%dma_wait3A_301, %mul3A_2, %dma_wait3A_302] : memref<50x4096x128xf32, #tpu.memory_space<hbm>> -> memref<1x128x128xf32, #tpu.memory_space<hbm>>
        %dma_wait3A_304 = tpu.memref_squeeze %dma_wait3A_303 : memref<1x128x128xf32, #tpu.memory_space<hbm>> -> memref<128x128xf32, #tpu.memory_space<hbm>>
        %dma_wait3A_305 = arith.constant 0 : i32
        %dma_wait3A_306 = tpu.memref_slice %arg4[%dma_wait3A_301, %mul3A_2, %dma_wait3A_305] : memref<50x4096x128xf32, #tpu.memory_space<hbm>> -> memref<1x128x128xf32, #tpu.memory_space<hbm>>
        %dma_wait3A_307 = tpu.memref_squeeze %dma_wait3A_306 : memref<1x128x128xf32, #tpu.memory_space<hbm>> -> memref<128x128xf32, #tpu.memory_space<hbm>>
        tpu.wait_dma2 semaphore(%arg16 : memref<!tpu.dma_semaphore, #tpu.memory_space<semaphore_mem>>) src(%arg6 : memref<128x128xf32, #tpu.memory_space<vmem>>) dst(%dma_wait3A_307 : memref<128x128xf32, #tpu.memory_space<hbm>>)
        %dma_start3A_308 = arith.constant 0 : i32
        %dma_start3A_309 = tpu.memref_slice %arg5[%add3A_249, %dma_start3A_308] : memref<50x128xi32, #tpu.memory_space<vmem>> -> memref<1x128xi32, #tpu.memory_space<vmem>>
        %dma_start3A_310 = tpu.memref_squeeze %dma_start3A_309 : memref<1x128xi32, #tpu.memory_space<vmem>> -> memref<128xi32, #tpu.memory_space<vmem>>
        %dma_start3A_311 = arith.constant 0 : i32
        %dma_start3A_312 = arith.constant 0 : i32
        %dma_start3A_313 = tpu.memref_slice %arg3[%dma_start3A_311, %dma_start3A_312] : memref<100000x128xf32, #tpu.memory_space<hbm>> -> memref<100000x128xf32, #tpu.memory_space<hbm>>
        tpu.enqueue_indirect_dma source(%dma_start3A_313 : memref<100000x128xf32, #tpu.memory_space<hbm>>) target(%arg6 : memref<128x128xf32, #tpu.memory_space<vmem>>) offsets(%dma_start3A_310 : memref<128xi32, #tpu.memory_space<vmem>>) semaphore(%arg11 : memref<!tpu.dma_semaphore, #tpu.memory_space<semaphore_mem>>)
      } else {
      }
      %mul3A_255 = arith.constant 5 : i32
      %mul3A_256 = arith.muli %scan3A_188, %mul3A_255 : i32
      %add3A_257 = arith.constant 3 : i32
      %add3A_258 = arith.addi %mul3A_256, %add3A_257 : i32
      %dma_wait3A_259 = arith.constant 0 : i32
      %dma_wait3A_260 = tpu.memref_slice %arg5[%add3A_258, %dma_wait3A_259] : memref<50x128xi32, #tpu.memory_space<vmem>> -> memref<1x128xi32, #tpu.memory_space<vmem>>
      %dma_wait3A_261 = tpu.memref_squeeze %dma_wait3A_260 : memref<1x128xi32, #tpu.memory_space<vmem>> -> memref<128xi32, #tpu.memory_space<vmem>>
      %dma_wait3A_262 = arith.constant 0 : i32
      %dma_wait3A_263 = arith.constant 0 : i32
      %dma_wait3A_264 = tpu.memref_slice %arg3[%dma_wait3A_262, %dma_wait3A_263] : memref<100000x128xf32, #tpu.memory_space<hbm>> -> memref<100000x128xf32, #tpu.memory_space<hbm>>
      tpu.wait_indirect_dma semaphore(%arg14 : memref<!tpu.dma_semaphore, #tpu.memory_space<semaphore_mem>>) src(%dma_wait3A_264 : memref<100000x128xf32, #tpu.memory_space<hbm>>) dst(%arg9 : memref<128x128xf32, #tpu.memory_space<vmem>>)
      %dma_start3A_265 = arith.constant 0 : i32
      %dma_start3A_266 = tpu.memref_slice %arg4[%add3A_258, %mul3A_2, %dma_start3A_265] : memref<50x4096x128xf32, #tpu.memory_space<hbm>> -> memref<1x128x128xf32, #tpu.memory_space<hbm>>
      %dma_start3A_267 = tpu.memref_squeeze %dma_start3A_266 : memref<1x128x128xf32, #tpu.memory_space<hbm>> -> memref<128x128xf32, #tpu.memory_space<hbm>>
      %dma_start3A_268 = arith.constant 0 : i32
      %dma_start3A_269 = tpu.memref_slice %arg4[%add3A_258, %mul3A_2, %dma_start3A_268] : memref<50x4096x128xf32, #tpu.memory_space<hbm>> -> memref<1x128x128xf32, #tpu.memory_space<hbm>>
      %dma_start3A_270 = tpu.memref_squeeze %dma_start3A_269 : memref<1x128x128xf32, #tpu.memory_space<hbm>> -> memref<128x128xf32, #tpu.memory_space<hbm>>
      tpu.enqueue_dma source(%arg9 : memref<128x128xf32, #tpu.memory_space<vmem>>) target(%dma_start3A_270 : memref<128x128xf32, #tpu.memory_space<hbm>>) target_semaphore(%arg19 : memref<!tpu.dma_semaphore, #tpu.memory_space<semaphore_mem>>)
      %add3A_271 = arith.constant 3 : i32
      %add3A_272 = arith.addi %add3A_258, %add3A_271 : i32
      %lt3A_273 = arith.constant 50 : i32
      %lt3A_274 = arith.cmpi slt, %add3A_272, %lt3A_273 : i32
      %convert_element_type3A_275 = arith.extui %lt3A_274 : i1 to i32
      %cond3A_276 = arith.constant 0 : i32
      %cond3A_277 = arith.cmpi ne, %convert_element_type3A_275, %cond3A_276 : i32
      scf.if %cond3A_277 {
        %dma_wait3A_301 = arith.constant 0 : i32
        %dma_wait3A_302 = arith.constant 0 : i32
        %dma_wait3A_303 = tpu.memref_slice %arg4[%dma_wait3A_301, %mul3A_2, %dma_wait3A_302] : memref<50x4096x128xf32, #tpu.memory_space<hbm>> -> memref<1x128x128xf32, #tpu.memory_space<hbm>>
        %dma_wait3A_304 = tpu.memref_squeeze %dma_wait3A_303 : memref<1x128x128xf32, #tpu.memory_space<hbm>> -> memref<128x128xf32, #tpu.memory_space<hbm>>
        %dma_wait3A_305 = arith.constant 0 : i32
        %dma_wait3A_306 = tpu.memref_slice %arg4[%dma_wait3A_301, %mul3A_2, %dma_wait3A_305] : memref<50x4096x128xf32, #tpu.memory_space<hbm>> -> memref<1x128x128xf32, #tpu.memory_space<hbm>>
        %dma_wait3A_307 = tpu.memref_squeeze %dma_wait3A_306 : memref<1x128x128xf32, #tpu.memory_space<hbm>> -> memref<128x128xf32, #tpu.memory_space<hbm>>
        tpu.wait_dma2 semaphore(%arg17 : memref<!tpu.dma_semaphore, #tpu.memory_space<semaphore_mem>>) src(%arg7 : memref<128x128xf32, #tpu.memory_space<vmem>>) dst(%dma_wait3A_307 : memref<128x128xf32, #tpu.memory_space<hbm>>)
        %dma_start3A_308 = arith.constant 0 : i32
        %dma_start3A_309 = tpu.memref_slice %arg5[%add3A_272, %dma_start3A_308] : memref<50x128xi32, #tpu.memory_space<vmem>> -> memref<1x128xi32, #tpu.memory_space<vmem>>
        %dma_start3A_310 = tpu.memref_squeeze %dma_start3A_309 : memref<1x128xi32, #tpu.memory_space<vmem>> -> memref<128xi32, #tpu.memory_space<vmem>>
        %dma_start3A_311 = arith.constant 0 : i32
        %dma_start3A_312 = arith.constant 0 : i32
        %dma_start3A_313 = tpu.memref_slice %arg3[%dma_start3A_311, %dma_start3A_312] : memref<100000x128xf32, #tpu.memory_space<hbm>> -> memref<100000x128xf32, #tpu.memory_space<hbm>>
        tpu.enqueue_indirect_dma source(%dma_start3A_313 : memref<100000x128xf32, #tpu.memory_space<hbm>>) target(%arg7 : memref<128x128xf32, #tpu.memory_space<vmem>>) offsets(%dma_start3A_310 : memref<128xi32, #tpu.memory_space<vmem>>) semaphore(%arg12 : memref<!tpu.dma_semaphore, #tpu.memory_space<semaphore_mem>>)
      } else {
      }
      %mul3A_278 = arith.constant 5 : i32
      %mul3A_279 = arith.muli %scan3A_188, %mul3A_278 : i32
      %add3A_280 = arith.constant 4 : i32
      %add3A_281 = arith.addi %mul3A_279, %add3A_280 : i32
      %dma_wait3A_282 = arith.constant 0 : i32
      %dma_wait3A_283 = tpu.memref_slice %arg5[%add3A_281, %dma_wait3A_282] : memref<50x128xi32, #tpu.memory_space<vmem>> -> memref<1x128xi32, #tpu.memory_space<vmem>>
      %dma_wait3A_284 = tpu.memref_squeeze %dma_wait3A_283 : memref<1x128xi32, #tpu.memory_space<vmem>> -> memref<128xi32, #tpu.memory_space<vmem>>
      %dma_wait3A_285 = arith.constant 0 : i32
      %dma_wait3A_286 = arith.constant 0 : i32
      %dma_wait3A_287 = tpu.memref_slice %arg3[%dma_wait3A_285, %dma_wait3A_286] : memref<100000x128xf32, #tpu.memory_space<hbm>> -> memref<100000x128xf32, #tpu.memory_space<hbm>>
      tpu.wait_indirect_dma semaphore(%arg15 : memref<!tpu.dma_semaphore, #tpu.memory_space<semaphore_mem>>) src(%dma_wait3A_287 : memref<100000x128xf32, #tpu.memory_space<hbm>>) dst(%arg10 : memref<128x128xf32, #tpu.memory_space<vmem>>)
      %dma_start3A_288 = arith.constant 0 : i32
      %dma_start3A_289 = tpu.memref_slice %arg4[%add3A_281, %mul3A_2, %dma_start3A_288] : memref<50x4096x128xf32, #tpu.memory_space<hbm>> -> memref<1x128x128xf32, #tpu.memory_space<hbm>>
      %dma_start3A_290 = tpu.memref_squeeze %dma_start3A_289 : memref<1x128x128xf32, #tpu.memory_space<hbm>> -> memref<128x128xf32, #tpu.memory_space<hbm>>
      %dma_start3A_291 = arith.constant 0 : i32
      %dma_start3A_292 = tpu.memref_slice %arg4[%add3A_281, %mul3A_2, %dma_start3A_291] : memref<50x4096x128xf32, #tpu.memory_space<hbm>> -> memref<1x128x128xf32, #tpu.memory_space<hbm>>
      %dma_start3A_293 = tpu.memref_squeeze %dma_start3A_292 : memref<1x128x128xf32, #tpu.memory_space<hbm>> -> memref<128x128xf32, #tpu.memory_space<hbm>>
      tpu.enqueue_dma source(%arg10 : memref<128x128xf32, #tpu.memory_space<vmem>>) target(%dma_start3A_293 : memref<128x128xf32, #tpu.memory_space<hbm>>) target_semaphore(%arg20 : memref<!tpu.dma_semaphore, #tpu.memory_space<semaphore_mem>>)
      %add3A_294 = arith.constant 3 : i32
      %add3A_295 = arith.addi %add3A_281, %add3A_294 : i32
      %lt3A_296 = arith.constant 50 : i32
      %lt3A_297 = arith.cmpi slt, %add3A_295, %lt3A_296 : i32
      %convert_element_type3A_298 = arith.extui %lt3A_297 : i1 to i32
      %cond3A_299 = arith.constant 0 : i32
      %cond3A_300 = arith.cmpi ne, %convert_element_type3A_298, %cond3A_299 : i32
      scf.if %cond3A_300 {
        %dma_wait3A_301 = arith.constant 0 : i32
        %dma_wait3A_302 = arith.constant 0 : i32
        %dma_wait3A_303 = tpu.memref_slice %arg4[%dma_wait3A_301, %mul3A_2, %dma_wait3A_302] : memref<50x4096x128xf32, #tpu.memory_space<hbm>> -> memref<1x128x128xf32, #tpu.memory_space<hbm>>
        %dma_wait3A_304 = tpu.memref_squeeze %dma_wait3A_303 : memref<1x128x128xf32, #tpu.memory_space<hbm>> -> memref<128x128xf32, #tpu.memory_space<hbm>>
        %dma_wait3A_305 = arith.constant 0 : i32
        %dma_wait3A_306 = tpu.memref_slice %arg4[%dma_wait3A_301, %mul3A_2, %dma_wait3A_305] : memref<50x4096x128xf32, #tpu.memory_space<hbm>> -> memref<1x128x128xf32, #tpu.memory_space<hbm>>
        %dma_wait3A_307 = tpu.memref_squeeze %dma_wait3A_306 : memref<1x128x128xf32, #tpu.memory_space<hbm>> -> memref<128x128xf32, #tpu.memory_space<hbm>>
        tpu.wait_dma2 semaphore(%arg18 : memref<!tpu.dma_semaphore, #tpu.memory_space<semaphore_mem>>) src(%arg8 : memref<128x128xf32, #tpu.memory_space<vmem>>) dst(%dma_wait3A_307 : memref<128x128xf32, #tpu.memory_space<hbm>>)
        %dma_start3A_308 = arith.constant 0 : i32
        %dma_start3A_309 = tpu.memref_slice %arg5[%add3A_295, %dma_start3A_308] : memref<50x128xi32, #tpu.memory_space<vmem>> -> memref<1x128xi32, #tpu.memory_space<vmem>>
        %dma_start3A_310 = tpu.memref_squeeze %dma_start3A_309 : memref<1x128xi32, #tpu.memory_space<vmem>> -> memref<128xi32, #tpu.memory_space<vmem>>
        %dma_start3A_311 = arith.constant 0 : i32
        %dma_start3A_312 = arith.constant 0 : i32
        %dma_start3A_313 = tpu.memref_slice %arg3[%dma_start3A_311, %dma_start3A_312] : memref<100000x128xf32, #tpu.memory_space<hbm>> -> memref<100000x128xf32, #tpu.memory_space<hbm>>
        tpu.enqueue_indirect_dma source(%dma_start3A_313 : memref<100000x128xf32, #tpu.memory_space<hbm>>) target(%arg8 : memref<128x128xf32, #tpu.memory_space<vmem>>) offsets(%dma_start3A_310 : memref<128xi32, #tpu.memory_space<vmem>>) semaphore(%arg13 : memref<!tpu.dma_semaphore, #tpu.memory_space<semaphore_mem>>)
      } else {
      }
    }
    %scan3A_152 = arith.constant 9 : i32
    %dma_wait3A_153 = arith.constant 0 : i32
    %dma_wait3A_154 = arith.constant 0 : i32
    %dma_wait3A_155 = tpu.memref_slice %arg4[%dma_wait3A_153, %mul3A_2, %dma_wait3A_154] : memref<50x4096x128xf32, #tpu.memory_space<hbm>> -> memref<1x128x128xf32, #tpu.memory_space<hbm>>
    %dma_wait3A_156 = tpu.memref_squeeze %dma_wait3A_155 : memref<1x128x128xf32, #tpu.memory_space<hbm>> -> memref<128x128xf32, #tpu.memory_space<hbm>>
    %dma_wait3A_157 = arith.constant 0 : i32
    %dma_wait3A_158 = tpu.memref_slice %arg4[%dma_wait3A_153, %mul3A_2, %dma_wait3A_157] : memref<50x4096x128xf32, #tpu.memory_space<hbm>> -> memref<1x128x128xf32, #tpu.memory_space<hbm>>
    %dma_wait3A_159 = tpu.memref_squeeze %dma_wait3A_158 : memref<1x128x128xf32, #tpu.memory_space<hbm>> -> memref<128x128xf32, #tpu.memory_space<hbm>>
    tpu.wait_dma2 semaphore(%arg16 : memref<!tpu.dma_semaphore, #tpu.memory_space<semaphore_mem>>) src(%arg6 : memref<128x128xf32, #tpu.memory_space<vmem>>) dst(%dma_wait3A_159 : memref<128x128xf32, #tpu.memory_space<hbm>>)
    %dma_wait3A_160 = arith.constant 0 : i32
    %dma_wait3A_161 = arith.constant 0 : i32
    %dma_wait3A_162 = tpu.memref_slice %arg4[%dma_wait3A_160, %mul3A_2, %dma_wait3A_161] : memref<50x4096x128xf32, #tpu.memory_space<hbm>> -> memref<1x128x128xf32, #tpu.memory_space<hbm>>
    %dma_wait3A_163 = tpu.memref_squeeze %dma_wait3A_162 : memref<1x128x128xf32, #tpu.memory_space<hbm>> -> memref<128x128xf32, #tpu.memory_space<hbm>>
    %dma_wait3A_164 = arith.constant 0 : i32
    %dma_wait3A_165 = tpu.memref_slice %arg4[%dma_wait3A_160, %mul3A_2, %dma_wait3A_164] : memref<50x4096x128xf32, #tpu.memory_space<hbm>> -> memref<1x128x128xf32, #tpu.memory_space<hbm>>
    %dma_wait3A_166 = tpu.memref_squeeze %dma_wait3A_165 : memref<1x128x128xf32, #tpu.memory_space<hbm>> -> memref<128x128xf32, #tpu.memory_space<hbm>>
    tpu.wait_dma2 semaphore(%arg17 : memref<!tpu.dma_semaphore, #tpu.memory_space<semaphore_mem>>) src(%arg7 : memref<128x128xf32, #tpu.memory_space<vmem>>) dst(%dma_wait3A_166 : memref<128x128xf32, #tpu.memory_space<hbm>>)
    %dma_wait3A_167 = arith.constant 0 : i32
    %dma_wait3A_168 = arith.constant 0 : i32
    %dma_wait3A_169 = tpu.memref_slice %arg4[%dma_wait3A_167, %mul3A_2, %dma_wait3A_168] : memref<50x4096x128xf32, #tpu.memory_space<hbm>> -> memref<1x128x128xf32, #tpu.memory_space<hbm>>
    %dma_wait3A_170 = tpu.memref_squeeze %dma_wait3A_169 : memref<1x128x128xf32, #tpu.memory_space<hbm>> -> memref<128x128xf32, #tpu.memory_space<hbm>>
    %dma_wait3A_171 = arith.constant 0 : i32
    %dma_wait3A_172 = tpu.memref_slice %arg4[%dma_wait3A_167, %mul3A_2, %dma_wait3A_171] : memref<50x4096x128xf32, #tpu.memory_space<hbm>> -> memref<1x128x128xf32, #tpu.memory_space<hbm>>
    %dma_wait3A_173 = tpu.memref_squeeze %dma_wait3A_172 : memref<1x128x128xf32, #tpu.memory_space<hbm>> -> memref<128x128xf32, #tpu.memory_space<hbm>>
    tpu.wait_dma2 semaphore(%arg18 : memref<!tpu.dma_semaphore, #tpu.memory_space<semaphore_mem>>) src(%arg8 : memref<128x128xf32, #tpu.memory_space<vmem>>) dst(%dma_wait3A_173 : memref<128x128xf32, #tpu.memory_space<hbm>>)
    %dma_wait3A_174 = arith.constant 0 : i32
    %dma_wait3A_175 = arith.constant 0 : i32
    %dma_wait3A_176 = tpu.memref_slice %arg4[%dma_wait3A_174, %mul3A_2, %dma_wait3A_175] : memref<50x4096x128xf32, #tpu.memory_space<hbm>> -> memref<1x128x128xf32, #tpu.memory_space<hbm>>
    %dma_wait3A_177 = tpu.memref_squeeze %dma_wait3A_176 : memref<1x128x128xf32, #tpu.memory_space<hbm>> -> memref<128x128xf32, #tpu.memory_space<hbm>>
    %dma_wait3A_178 = arith.constant 0 : i32
    %dma_wait3A_179 = tpu.memref_slice %arg4[%dma_wait3A_174, %mul3A_2, %dma_wait3A_178] : memref<50x4096x128xf32, #tpu.memory_space<hbm>> -> memref<1x128x128xf32, #tpu.memory_space<hbm>>
    %dma_wait3A_180 = tpu.memref_squeeze %dma_wait3A_179 : memref<1x128x128xf32, #tpu.memory_space<hbm>> -> memref<128x128xf32, #tpu.memory_space<hbm>>
    tpu.wait_dma2 semaphore(%arg19 : memref<!tpu.dma_semaphore, #tpu.memory_space<semaphore_mem>>) src(%arg9 : memref<128x128xf32, #tpu.memory_space<vmem>>) dst(%dma_wait3A_180 : memref<128x128xf32, #tpu.memory_space<hbm>>)
    %dma_wait3A_181 = arith.constant 0 : i32
    %dma_wait3A_182 = arith.constant 0 : i32
    %dma_wait3A_183 = tpu.memref_slice %arg4[%dma_wait3A_181, %mul3A_2, %dma_wait3A_182] : memref<50x4096x128xf32, #tpu.memory_space<hbm>> -> memref<1x128x128xf32, #tpu.memory_space<hbm>>
    %dma_wait3A_184 = tpu.memref_squeeze %dma_wait3A_183 : memref<1x128x128xf32, #tpu.memory_space<hbm>> -> memref<128x128xf32, #tpu.memory_space<hbm>>
    %dma_wait3A_185 = arith.constant 0 : i32
    %dma_wait3A_186 = tpu.memref_slice %arg4[%dma_wait3A_181, %mul3A_2, %dma_wait3A_185] : memref<50x4096x128xf32, #tpu.memory_space<hbm>> -> memref<1x128x128xf32, #tpu.memory_space<hbm>>
    %dma_wait3A_187 = tpu.memref_squeeze %dma_wait3A_186 : memref<1x128x128xf32, #tpu.memory_space<hbm>> -> memref<128x128xf32, #tpu.memory_space<hbm>>
    tpu.wait_dma2 semaphore(%arg20 : memref<!tpu.dma_semaphore, #tpu.memory_space<semaphore_mem>>) src(%arg10 : memref<128x128xf32, #tpu.memory_space<vmem>>) dst(%dma_wait3A_187 : memref<128x128xf32, #tpu.memory_space<hbm>>)
    return
  }
}

</mosaic_0001>

<sc_bundles>
// kernel: kernel.3.cloned.1.call-start
scs
__scs_entry_jumppad:
0x0: {  	(pc) =	sbr.rel $0x88, $3  }
0x1: {  	(tag) =	ssettag $0x0;
	lr =	simm.s32 $0x1  }
0x2: {  	[smem:$0x3F9F] =	sst lr;
	_ =	strace $0xD0000000  }
0x3: {  	_ = 	snop  }
0x4: {  	_ = 	snop  }
0x5: {  	_ = 	snop  }
0x6: {  	_ = 	snop  }
0x7: {  	_ = 	snop  }
__scs_overlays_trampoline_lowered:
0x8: {  	[smem:$0x3FAE] =	sst s0  }
0x9: {  	[smem:$0x3FAF] =	sst s1  }
0xa: {  	[smem:$0x3FB0] =	sst s2  }
0xb: {  	[smem:$0x3FB1] =	sst s3  }
0xc: {  	[smem:$0x3FB2] =	sst s4  }
0xd: {  	[smem:$0x3FB3] =	sst s5  }
0xe: {  	[smem:$0x3FB4] =	sst s6  }
0xf: {  	[smem:$0x3FB5] =	sst s7  }
0x10: {  	[smem:$0x3FB6] =	sst s8  }
0x11: {  	[smem:$0x3FB7] =	sst s9;
	s0 =	simm.s32 @!p0 $0x0  }
0x12: {  	s1 =	sld [smem:$0x3F9D];
	s0 =	simm.s32 @p0 $0x1  }
0x13: {  	[smem:$0x3FB8] =	sst s0;
	s0 =	simm.s32 @!p1 $0x0  }
0x14: {  	s2 =	sld [smem:$0x3F9C];
	s0 =	simm.s32 @p1 $0x1  }
0x15: {  	[smem:$0x3FB9] =	sst s0;
	s0 =	simm.s32 @!p2 $0x0  }
0x16: {  	s3 =	sld [smem:$0x3FDB];
	s0 =	simm.s32 @p2 $0x1  }
0x17: {  	s4 =	simm.s32 $0x1BF5;
	[smem:$0x3FBB] =	sst s0  }
0x18: {  	s0 =	sld [smem:$0x3F9E];
	_ =	swait.ge [sflag:s4], $0x0  }
0x19: {  	s7 =	sld [smem:$0x3F9F]  }
0x1a: {  	s8 =	sadd.s32 $0xFFFFE003, lr  }
0x1b: {  	s9 =	sadd.s32 $0xFFFFFEF7, lr;
	s5 =	simm.s32 $0xFFFFFFFF;
	p2 =	slt.u32 s8, $0xFFFFF086  }
0x1c: {  	p1 =	slt.u32 s9, $0xF7A;
	s5 =	simm.s32 @!p2 $0x0  }
0x1d: {  	s5 =	simm.s32 @p1 $0x1;
	p0 =	seq.s32 s7, s2  }
0x1e: {  	s7 =	smul.u32 @!p0 $0xF7A, s2;
	p2 =	seq.s32 @!p0 s5, $0x0  }
0x1f: {  	s9 =	smul.u32 $0xF7A, s1;
	s8 =	simm.s32 @!p0 $0x1BF5;
	p2 =	por !p2, p0  }
0x20: {  	[sflag:s8] =	ssyncset.s32 @!p0 $0xFFFFF086;
	s6 =	sadd.s32 @!p0 s3, s7;
	s7 =	simm.s32 @!p0 $0x108  }
0x21: {  	s3 =	sadd.s32 s3, s9;
	s6 =	sadd.s32 @!p0 $0x88, s6;
	s7 =	simm.s32 @p2 $0x1082  }
0x22: {  	[simem:s7], [sflag:s8] =	dma.local @!p0 [hbm:s6], $0xF7A  }
0x23: {  	s9 =	sor.u32 $0xD0000000, s2;
	s6 =	simm.s32 $0x108;
	_ =	swait.ge @!p0 [sflag:s8], $0x0  }
0x24: {  	s3 =	sadd.s32 $0x88, s3;
	s6 =	simm.s32 @!p1 $0x1082;
	[sflag:s4] =	ssyncset.s32 $0xFFFFF086  }
0x25: {  	[simem:s6], [sflag:s4] =	dma.local [hbm:s3], $0xF7A  }
0x26: {  	[smem:$0x3F9F] =	sst s1;
	(tag) =	ssettag s2;
	_ =	strace s9  }
0x27: {  	s1 =	sld [smem:$0x3FAF]  }
0x28: {  	s2 =	sld [smem:$0x3FB0]  }
0x29: {  	s4 =	sld [smem:$0x3FB2]  }
0x2a: {  	p0 =	seq.s32 s5, $0x0;
	s5 =	sld [smem:$0x3FB3]  }
0x2b: {  	s6 =	sld [smem:$0x3FB4]  }
0x2c: {  	s7 =	sld [smem:$0x3FB5]  }
0x2d: {  	s3 =	simm.s32 $0x108;
	s8 =	sld [smem:$0x3FB6]  }
0x2e: {  	s3 =	simm.s32 @!p0 $0x1082;
	s9 =	sld [smem:$0x3FB7]  }
0x2f: {  	lr =	sadd.s32 s0, s3;
	s0 =	sld [smem:$0x3FAE]  }
0x30: {  	s3 =	sld [smem:$0x3FB1]  }
0x31: {  	[smem:$0x3FBA] =	sst s10  }
0x32: {  	s10 =	sld [smem:$0x3FB8];
	_ =	sdelay $0x3  }
0x33: {  	p0 =	seq.s32 s10, $0x1;
	s10 =	sld [smem:$0x3FBA];
	_ =	sdelay $0x3  }
0x34: {  	[smem:$0x3FBA] =	sst s10  }
0x35: {  	s10 =	sld [smem:$0x3FB9];
	_ =	sdelay $0x3  }
0x36: {  	p1 =	seq.s32 s10, $0x1;
	s10 =	sld [smem:$0x3FBA];
	_ =	sdelay $0x3  }
0x37: {  	[smem:$0x3FBA] =	sst s10  }
0x38: {  	s10 =	sld [smem:$0x3FBB]  }
0x39: {  	_ = 	snop;
	(pc) =	sbr.ind lr, $3  }
0x3a: {  	_ = 	snop  }
0x3b: {  	_ = 	snop  }
0x3c: {  	p2 =	seq.s32 s10, $0x1;
	s10 =	sld [smem:$0x3FBA]  }
0x3d: {  	_ =	shalt  }
0x3e: {  	_ =	shalt  }
0x3f: {  	_ =	shalt  }
0x40: {  	_ =	shalt  }
0x41: {  	_ =	shalt  }
0x42: {  	_ =	shalt  }
0x43: {  	_ =	shalt  }
0x44: {  	_ =	shalt  }
0x45: {  	_ =	shalt  }
0x46: {  	_ =	shalt  }
0x47: {  	_ =	shalt  }
0x48: {  	_ =	shalt  }
0x49: {  	_ =	shalt  }
0x4a: {  	_ =	shalt  }
0x4b: {  	_ =	shalt  }
0x4c: {  	_ =	shalt  }
0x4d: {  	_ =	shalt  }
0x4e: {  	_ =	shalt  }
0x4f: {  	_ =	shalt  }
0x50: {  	_ =	shalt  }
0x51: {  	_ =	shalt  }
0x52: {  	_ =	shalt  }
0x53: {  	_ =	shalt  }
0x54: {  	_ =	shalt  }
0x55: {  	_ =	shalt  }
0x56: {  	_ =	shalt  }
0x57: {  	_ =	shalt  }
0x58: {  	_ =	shalt  }
0x59: {  	_ =	shalt  }
0x5a: {  	_ =	shalt  }
0x5b: {  	_ =	shalt  }
0x5c: {  	_ =	shalt  }
0x5d: {  	_ =	shalt  }
0x5e: {  	_ =	shalt  }
0x5f: {  	_ =	shalt  }
0x60: {  	_ =	shalt  }
0x61: {  	_ =	shalt  }
0x62: {  	_ =	shalt  }
0x63: {  	_ =	shalt  }
0x64: {  	_ =	shalt  }
0x65: {  	_ =	shalt  }
0x66: {  	_ =	shalt  }
0x67: {  	_ =	shalt  }
0x68: {  	_ =	shalt  }
0x69: {  	_ =	shalt  }
0x6a: {  	_ =	shalt  }
0x6b: {  	_ =	shalt  }
0x6c: {  	_ =	shalt  }
0x6d: {  	_ =	shalt  }
0x6e: {  	_ =	shalt  }
0x6f: {  	_ =	shalt  }
0x70: {  	_ =	shalt  }
0x71: {  	_ =	shalt  }
0x72: {  	_ =	shalt  }
0x73: {  	_ =	shalt  }
0x74: {  	_ =	shalt  }
0x75: {  	_ =	shalt  }
0x76: {  	_ =	shalt  }
0x77: {  	_ =	shalt  }
0x78: {  	_ =	shalt  }
0x79: {  	_ =	shalt  }
0x7a: {  	_ =	shalt  }
0x7b: {  	_ =	shalt  }
0x7c: {  	_ =	shalt  }
0x7d: {  	_ =	shalt  }
0x7e: {  	_ =	shalt  }
0x7f: {  	_ =	shalt  }
0x80: {  	_ =	shalt  }
0x81: {  	_ =	shalt  }
0x82: {  	_ =	shalt  }
0x83: {  	_ =	shalt  }
0x84: {  	_ =	shalt  }
0x85: {  	_ =	shalt  }
0x86: {  	_ =	shalt  }
0x87: {  	_ =	shalt  }
.Lfunc_end0:
.L_simem_size_0:
called_computation_lowered:
.L_overlay_start_0:
0x88: {  	s2 =	sld [smem:$0x3FD9]  }
0x89: {  	s3 =	sld [smem:$0x3FFE];
	_ =	sdelay $0x1  }
0x8a: {  	s1 =	srdreg.scid  }
0x8b: {  	s0 =	sand.u32 $0x1, s1  }
0x8c: {  	s18 =	sshll.u32 s0, $0xA;
	s2 =	sadd.s32 s3, s2  }
0x8d: {  	s2 =	sadd.s32 s2, s18  }
0x8e: {  	[smem:$0x3FC6] =	sst s2  }
0x8f: {  	_ = 	snop  }
0x90: {  	s2 =	sld [smem:$0x3FC9]  }
0x91: {  	s19 =	sld [smem:$0x3FC8]  }
0x92: {  	s4 =	sld [smem:$0x3FD0];
	(tm) =	ssettm $0x1  }
0x93: {  	s5 =	sld [smem:$0x3FFB];
	_ =	sdelay $0x3  }
0x94: {  	_ =	strace s5  }
0x95: {  	s5 =	sld [smem:$0x3FFC];
	_ =	sdelay $0x3  }
0x96: {  	_ =	strace s5  }
0x97: {  	s5 =	sld [smem:$0x3FFD];
	_ =	sdelay $0x3  }
0x98: {  	_ =	strace s5  }
0x99: {  	_ =	strace $0x8FFFFFFF  }
0x9a: {  	s20 =	sld [smem:$0x3FDB];
	_ =	sdelay $0x1  }
0x9b: {  	s6 =	simm.s32 $_scs_section_size  }
0x9c: {  	s7 =	simm.s32 $_size__tile_overlayer_lowered;
	s8 =	simm.s32 $_tile_overlayer_lowered  }
0x9d: {  	s23 =	simm.s32 $0x1BFF;
	s22 =	sshll.u32 s8, $0x1;
	s5 =	sadd.s32 s6, s20  }
0x9e: {  	s9 =	simm.s32 $0x0;
	s21 =	sshll.u32 s7, $0x1;
	s7 =	sadd.s32 s22, s5  }
0x9f: {  	[timem:s9], [sflag:s23] =	dma.local [hbm:s7], s21  }
0xa0: {  	_ =	swait.ge [sflag:s23], s21  }
0xa1: {  	s6 =	ssub.s32 $0x0, s21;
	[sflag:s23] =	ssyncset.done $0x0  }
0xa2: {  	[sflag:s23] =	ssyncadd.s32 s6;
	_ =	sdelay $0x1  }
0xa3: {  	s24 =	simm.s32 $0x1B8B  }
0xa4: {  	_ =	swait.ge [sflag:s24], $0x1  }
0xa5: {  	[sflag:s24] =	ssyncset.done $0x0  }
0xa6: {  	s25 =	simm.s32 $0x1B8E;
	[sflag:s24] =	ssyncadd.s32 $0xFFFFFFFF  }
0xa7: {  	s26 =	simm.s32 $execute0_lowered;
	[smem:$0x3FD2] =	sst s25  }
0xa8: {  	s6 =	sshll.u32 s26, $0x1;
	_ =	strace $0x80000046;
	[dreg:$0x1] =	wrdreg $0xFFFFFFFF  }
0xa9: {  	s28 =	simm.s32 $_size_execute0_lowered;
	s5 =	sadd.s32 s5, s6;
	[dreg:$0x0] =	wrdreg $0x0  }
0xaa: {  	s6 =	sshll.u32 s28, $0x1;
	[dreg:$0x2] =	wrdreg s5  }
0xab: {  	[dreg:$0x3] =	wrdreg s6  }
0xac: {  	[dreg:$0x4] =	wrdreg $0xC0  }
0xad: {  	_ =	task [dreg:s9], $0x5FFFF  }
0xae: {  	[dreg:$0x1] =	wrdreg $0xFFFFFFFF  }
0xaf: {  	[dreg:$0x0] =	wrdreg $0x60  }
0xb0: {  	[dreg:$0x2] =	wrdreg s2  }
0xb1: {  	[dreg:$0x3] =	wrdreg s19  }
0xb2: {  	[dreg:$0x4] =	wrdreg s4  }
0xb3: {  	[dreg:$0x5] =	wrdreg $0x9  }
0xb4: {  	_ =	task.clear_ibuf [dreg:s9], $0x6FFFF;
	_ =	strace $0x90000046  }
0xb5: {  	s29 =	simm.s32 $0x9;
	_ =	strace $0x80000048  }
0xb6: {  	_ =	swait.ge [sflag:s29], $0x1  }
0xb7: {  	[sflag:s29] =	ssyncadd.s32 $0xFFFFFFFF  }
0xb8: {  	_ =	strace $0x90000048  }
0xb9: {  	_ =	sfence  }
0xba: {  	s30 =	sld [smem:$0x0];
	_ =	sdelay $0x2  }
0xbb: {  	s31 =	sshll.u32 s1, $0xD;
	s1 =	sshrl.u32 s1, $0x2  }
0xbc: {  	s3 =	sand.u32 $0x4000, s31;
	s1 =	sadd.s32 s1, s30  }
0xbd: {  	s0 =	sor.u32 s3, s0;
	s1 =	sshll.u32 s1, $0x11  }
0xbe: {  	s0 =	sor.u32 s1, s0  }
0xbf: {  	s0 =	sadd.s32 $0x8F2B, s0  }
0xc0: {  	[sflag:s0] =	ssyncadd.remote.s32 $0x1  }
0xc1: {  	_ =	sfence.sel $0xFFFF  }
0xc2: {  	[dreg:$0x0] =	wrdreg $0xFFFFFFFF;
	(pc) =	sbr.abs _section_cstart, $3  }
0xc3: {  	[dreg:$0x1] =	wrdreg $0xFFFFFFFF  }
0xc4: {  	_ =	task.clear_ibuf [dreg:s9], $0x2FFFF;
	_ =	strace $0x9FFFFFFF  }
0xc5: {  	(tm) =	ssettm $0x7FFFFFFF  }
tec
execute0_lowered:
.L_overlay_start_1:
0x0: {  	(tag) =	ssettag $0x1  }
0x1: {  	s0 =	rddreg [dreg:$0x0]  }
0x2: {  	s1 =	rddreg [dreg:$0x1]  }
0x3: {  	s3 =	rddreg [dreg:$0x2];
	s2 =	srdreg.scid;
	s4 =	simm.s32 $0x0  }
0x4: {  	s9 =	stileid.u32;
	s28 =	simm.s32 $0x1;
	s30 =	simm.s32 $0xDC00  }
0x5: {  	s31 =	simm.s32 $0x2;
	s29 =	simm.s32 $0x7;
	s2 =	sand.u32 $0x1, s2  }
0x6: {  	s6 =	sshll.u32 s9, $0x8;
	[smem:$0x7FF] =	sst s4;
	s12 =	sshll.u32 s9, $0xF  }
0x7: {  	s5 =	ssub.s32 $0x2, s2;
	s7 =	sshll.u32 s2, $0x7;
	_ =	strace $0x80000047  }
0x8: {  	s2 =	sshll.u32 s2, $0xE;
	s8 =	sshrl.u32 s5, $0x1;
	s6 =	sor.u32 s7, s6  }
0x9: {  	s14 =	sor.u32 s2, s12;
	s5 =	ssub.s32 s5, s8;
	s7 =	sadd.s32 s0, s6  }
0xa: {  	s11 =	sshll.u32 s6, $0x4;
	s17 =	sor.u32 $0x380000, s14;
	s20 =	sor.u32 $0x300000, s14  }
0xb: {  	s21 =	sor.u32 $0x480000, s14;
	s22 =	sor.u32 $0x400000, s14;
	s0 =	sor.u32 $0x280000, s14  }
0xc: {  	s6 =	simm.s32 $0x9;
	s8 =	simm.s32 $0x0;
	[dreg:$0x4] =	wrdreg s7  }
0xd: {  	s7 =	sadd.s32 $0x6000, s7;
	s13 =	sadd.s32 s3, s11;
	[dreg:$0xe] =	wrdreg s0  }
0xe: {  	s2 =	sshrl.u32 s17, $0x3;
	s5 =	smax.u32 s5, $0x1;
	[dreg:$0x5] =	wrdreg s7  }
0xf: {  	s23 =	sshrl.u32 s21, $0x3;
	s24 =	sshrl.u32 s22, $0x3;
	[dreg:$0x6] =	wrdreg s13  }
0x10: {  	s22 =	simm.s32 $0x80;
	s15 =	sadd.s32 $0x10000, s13;
	[dreg:$0xb] =	wrdreg s5  }
0x11: {  	s0 =	simm.s32 $0x8;
	s16 =	sadd.s32 $0x20000, s13;
	[dreg:$0x7] =	wrdreg s15  }
0x12: {  	s18 =	sadd.s32 $0x30000, s13;
	s19 =	sadd.s32 $0x40000, s13;
	[dreg:$0x8] =	wrdreg s16  }
0x13: {  	s2 =	sadd.s32 s2, s3;
	s25 =	sadd.s32 s23, s3;
	[dreg:$0x9] =	wrdreg s18  }
0x14: {  	s26 =	sadd.s32 s24, s3;
	s23 =	simm.s32 $0x1C00;
	[dreg:$0xa] =	wrdreg s19  }
.Ltmp0:
0x15: {  	s24 =	simm.s32 $0x5C00;
	[dreg:$0xc] =	wrdreg s2;
	(pc) =	sbr.rel .LBB2_1-.Ltmp0, $4  }
0x16: {  	s5 =	simm.s32 $0xA;
	s2 =	sshrl.u32 s20, $0x3;
	[dreg:$0xf] =	wrdreg s25  }
0x17: {  	[dreg:$0x10] =	wrdreg s26;
	s26 =	simm.s32 $0x9C00;
	s18 =	simm.s32 $0x3  }
0x18: {  	s19 =	simm.s32 $0x6;
	s25 =	simm.s32 $0x4;
	s2 =	sadd.s32 s2, s3  }
0x19: {  	s20 =	simm.s32 $0x5;
	[dreg:$0xd] =	wrdreg s2;
	s2 =	simm.s32 $0x11C00  }
.LBB2_4:
0x1a: {  	_ =	swait.ge [sflag:s19], $0x4000  }
0x1b: {  	[sflag:s19] =	ssyncset.done $0x0  }
0x1c: {  	[sflag:s19] =	ssyncadd.s32 $0xFFFFC000  }
0x1d: {  	_ =	swait.ge [sflag:s29], $0x4000  }
0x1e: {  	[sflag:s29] =	ssyncset.done $0x0  }
0x1f: {  	[sflag:s29] =	ssyncadd.s32 $0xFFFFC000  }
0x20: {  	_ =	swait.ge [sflag:s0], $0x4000  }
0x21: {  	[sflag:s0] =	ssyncset.done $0x0  }
0x22: {  	[sflag:s0] =	ssyncadd.s32 $0xFFFFC000  }
0x23: {  	_ =	swait.ge [sflag:s6], $0x4000  }
0x24: {  	[sflag:s6] =	ssyncset.done $0x0  }
0x25: {  	[sflag:s6] =	ssyncadd.s32 $0xFFFFC000  }
0x26: {  	_ =	swait.ge [sflag:s5], $0x4000  }
0x27: {  	s8 =	sadd.s32 $0x1, s8;
	s7 =	rddreg [dreg:$0xb]  }
0x28: {  	p0 =	sne.s32 s8, s7  }
.Ltmp1:
0x29: {  	_ = 	snop;
	(pc) =	sbr.rel @!p0 .LBB2_5-.Ltmp1, $3  }
0x2a: {  	_ =	sdelay $0x1  }
0x2b: {  	[sflag:s5] =	ssyncset.done $0x0  }
0x2c: {  	[sflag:s5] =	ssyncadd.s32 $0xFFFFC000  }
.LBB2_1:
0x2d: {  	s7 =	rddreg [dreg:$0x4];
	s9 =	simm.s32 $0x400;
	s10 =	simm.s32 $0x8000  }
0x2e: {  	[tilespmem:s4], [sflag:$0xB] =	stream.strided.gather [hbm4b:s7+s9], $0x1800, s10, s9, $0x38;
	[tilespmem:$0x15C00] =	vst v63  }
0x2f: {  	s15 =	rddreg [dreg:$0x5];
	s16 =	simm.s32 $0x1800;
	s17 =	simm.s32 $0xB  }
0x30: {  	[tilespmem:s16], [sflag:$0xB] =	stream.linear.gather [hbm4b:s15+s4], $0x100, $0x38;
	[tilespmem:$0x15C00] =	vst v63  }
0x31: {  	_ =	swait.ge [sflag:s17], $0x1900  }
0x32: {  	[sflag:s17] =	ssyncset.done $0x0  }
0x33: {  	[sflag:s17] =	ssyncadd.s32 $0xFFFFE700  }
0x34: {  	[tilespmem:s23], [sflag:$0x1] =	stream.indirect.gather [hbm4b:s1+s22], $0x80, s4, s22, $0xb8;
	[tilespmem:$0x15C00] =	vst v63  }
0x35: {  	_ = 	snop  }
0x36: {  	[tilespmem:s24], [sflag:$0x2] =	stream.indirect.gather [hbm4b:s1+s22], $0x80, s22, s22, $0xb8;
	[tilespmem:$0x15C00] =	vst v63  }
0x37: {  	s21 =	simm.s32 $0x100  }
0x38: {  	[tilespmem:s26], [sflag:$0x3] =	stream.indirect.gather [hbm4b:s1+s22], $0x80, s21, s22, $0xb8;
	[tilespmem:$0x15C00] =	vst v63  }
0x39: {  	_ =	swait.ge [sflag:s28], $0x4000  }
0x3a: {  	[sflag:s28] =	ssyncset.done $0x0  }
0x3b: {  	s9 =	rddreg [dreg:$0x6];
	[sflag:s28] =	ssyncadd.s32 $0xFFFFC000  }
0x3c: {  	[hbm4b:s9+s4] =	stream.linear.scatter [tilespmem:s23], [sflag:$0x6], $0x4000, $0x38;
	[tilespmem:$0x15C00] =	vst v63  }
0x3d: {  	s10 =	simm.s32 $0x180  }
0x3e: {  	[tilespmem:s30], [sflag:$0x4] =	stream.indirect.gather [hbm4b:s1+s22], $0x80, s10, s22, $0xb8;
	[tilespmem:$0x15C00] =	vst v63  }
0x3f: {  	_ =	swait.ge [sflag:s31], $0x4000  }
0x40: {  	[sflag:s31] =	ssyncset.done $0x0  }
0x41: {  	s11 =	rddreg [dreg:$0x7];
	[sflag:s31] =	ssyncadd.s32 $0xFFFFC000  }
0x42: {  	[hbm4b:s11+s4] =	stream.linear.scatter [tilespmem:s24], [sflag:$0x7], $0x4000, $0x38;
	[tilespmem:$0x15C00] =	vst v63  }
0x43: {  	s12 =	simm.s32 $0x200  }
0x44: {  	[tilespmem:s2], [sflag:$0x5] =	stream.indirect.gather [hbm4b:s1+s22], $0x80, s12, s22, $0xb8;
	[tilespmem:$0x15C00] =	vst v63  }
0x45: {  	_ =	swait.ge [sflag:s18], $0x4000  }
0x46: {  	[sflag:s18] =	ssyncset.done $0x0  }
0x47: {  	s13 =	rddreg [dreg:$0x8];
	[sflag:s18] =	ssyncadd.s32 $0xFFFFC000  }
0x48: {  	[hbm4b:s13+s4] =	stream.linear.scatter [tilespmem:s26], [sflag:$0x8], $0x4000, $0x38;
	[tilespmem:$0x15C00] =	vst v63  }
0x49: {  	_ =	swait.ge [sflag:s19], $0x4000  }
0x4a: {  	[sflag:s19] =	ssyncset.done $0x0  }
0x4b: {  	s14 =	simm.s32 $0x280;
	[sflag:s19] =	ssyncadd.s32 $0xFFFFC000  }
0x4c: {  	[tilespmem:s23], [sflag:$0x1] =	stream.indirect.gather [hbm4b:s1+s22], $0x80, s14, s22, $0xb8;
	[tilespmem:$0x15C00] =	vst v63  }
0x4d: {  	_ =	swait.ge [sflag:s25], $0x4000  }
0x4e: {  	[sflag:s25] =	ssyncset.done $0x0  }
0x4f: {  	s15 =	rddreg [dreg:$0x9];
	[sflag:s25] =	ssyncadd.s32 $0xFFFFC000  }
0x50: {  	[hbm4b:s15+s4] =	stream.linear.scatter [tilespmem:s30], [sflag:$0x9], $0x4000, $0x38;
	[tilespmem:$0x15C00] =	vst v63  }
0x51: {  	_ =	swait.ge [sflag:s29], $0x4000  }
0x52: {  	[sflag:s29] =	ssyncset.done $0x0  }
0x53: {  	s16 =	simm.s32 $0x300;
	[sflag:s29] =	ssyncadd.s32 $0xFFFFC000  }
0x54: {  	[tilespmem:s24], [sflag:$0x2] =	stream.indirect.gather [hbm4b:s1+s22], $0x80, s16, s22, $0xb8;
	[tilespmem:$0x15C00] =	vst v63  }
0x55: {  	_ =	swait.ge [sflag:s20], $0x4000  }
0x56: {  	[sflag:s20] =	ssyncset.done $0x0  }
0x57: {  	s17 =	rddreg [dreg:$0xa];
	[sflag:s20] =	ssyncadd.s32 $0xFFFFC000  }
0x58: {  	[hbm4b:s17+s4] =	stream.linear.scatter [tilespmem:s2], [sflag:$0xA], $0x4000, $0x38;
	[tilespmem:$0x15C00] =	vst v63  }
0x59: {  	_ =	swait.ge [sflag:s0], $0x4000  }
0x5a: {  	s17 =	rddreg [dreg:$0x10]  }
0x5b: {  	s16 =	rddreg [dreg:$0xf]  }
0x5c: {  	s15 =	rddreg [dreg:$0xe]  }
0x5d: {  	s21 =	simm.s32 $0x380;
	[sflag:s0] =	ssyncset.done $0x0;
	s14 =	rddreg [dreg:$0xd]  }
0x5e: {  	s12 =	simm.s32 $0x0;
	s13 =	rddreg [dreg:$0xc];
	[sflag:s0] =	ssyncadd.s32 $0xFFFFC000  }
0x5f: {  	[tilespmem:s26], [sflag:$0x3] =	stream.indirect.gather [hbm4b:s1+s22], $0x80, s21, s22, $0xb8;
	[tilespmem:$0x15C00] =	vst v63  }
.LBB2_2:
0x60: {  	_ =	swait.ge [sflag:s28], $0x4000  }
0x61: {  	s11 =	sshrl.u32 s15, $0x3;
	[sflag:s28] =	ssyncset.done $0x0  }
0x62: {  	s11 =	sadd.s32 s3, s11;
	[sflag:s28] =	ssyncadd.s32 $0xFFFFC000  }
0x63: {  	[hbm4b:s11+s4] =	stream.linear.scatter [tilespmem:s23], [sflag:$0x6], $0x4000, $0x38;
	[tilespmem:$0x15C00] =	vst v63  }
0x64: {  	_ =	swait.ge [sflag:s6], $0x4000  }
0x65: {  	s11 =	sshra.s32 s12, $0x2;
	[sflag:s6] =	ssyncset.done $0x0  }
0x66: {  	s10 =	sadd.s32 $0x400, s11;
	[sflag:s6] =	ssyncadd.s32 $0xFFFFC000  }
0x67: {  	[tilespmem:s30], [sflag:$0x4] =	stream.indirect.gather [hbm4b:s1+s22], $0x80, s10, s22, $0xb8;
	[tilespmem:$0x15C00] =	vst v63  }
0x68: {  	_ =	swait.ge [sflag:s31], $0x4000  }
0x69: {  	[sflag:s31] =	ssyncset.done $0x0  }
0x6a: {  	[sflag:s31] =	ssyncadd.s32 $0xFFFFC000  }
0x6b: {  	[hbm4b:s14+s4] =	stream.linear.scatter [tilespmem:s24], [sflag:$0x7], $0x4000, $0x38;
	[tilespmem:$0x15C00] =	vst v63  }
0x6c: {  	_ =	swait.ge [sflag:s5], $0x4000  }
0x6d: {  	[sflag:s5] =	ssyncset.done $0x0  }
0x6e: {  	s21 =	sadd.s32 $0x480, s11;
	[sflag:s5] =	ssyncadd.s32 $0xFFFFC000  }
0x6f: {  	[tilespmem:s2], [sflag:$0x5] =	stream.indirect.gather [hbm4b:s1+s22], $0x80, s21, s22, $0xb8;
	[tilespmem:$0x15C00] =	vst v63  }
0x70: {  	_ =	swait.ge [sflag:s18], $0x4000  }
0x71: {  	p0 =	seq.s32 s12, $0x5000;
	[sflag:s18] =	ssyncset.done $0x0  }
0x72: {  	s10 =	simm.s32 @!p0 $0x6;
	[sflag:s18] =	ssyncadd.s32 $0xFFFFC000  }
0x73: {  	[hbm4b:s13+s4] =	stream.linear.scatter [tilespmem:s26], [sflag:$0x8], $0x4000, $0x38;
	[tilespmem:$0x15C00] =	vst v63  }
0x74: {  	_ =	swait.ge @!p0 [sflag:s10], $0x4000  }
0x75: {  	[sflag:s10] =	ssyncset.done @!p0 $0x0  }
0x76: {  	[sflag:s10] =	ssyncadd.s32 @!p0 $0xFFFFC000;
	s10 =	sshra.s32 @!p0 s12, $0x2  }
0x77: {  	s7 =	simm.s32 @!p0 $0x80;
	s21 =	simm.s32 @!p0 $0x1C00;
	s9 =	sadd.s32 @!p0 $0x500, s10  }
0x78: {  	[tilespmem:s21], [sflag:$0x1] =	stream.indirect.gather @!p0 [hbm4b:s1+s7], $0x80, s9, s7, $0xb8;
	[tilespmem:$0x15C00] =	vst v63  }
0x79: {  	_ =	swait.ge [sflag:s25], $0x4000  }
0x7a: {  	[sflag:s25] =	ssyncset.done $0x0  }
0x7b: {  	s9 =	simm.s32 @!p0 $0x7;
	[sflag:s25] =	ssyncadd.s32 $0xFFFFC000  }
0x7c: {  	[hbm4b:s17+s4] =	stream.linear.scatter [tilespmem:s30], [sflag:$0x9], $0x4000, $0x38;
	[tilespmem:$0x15C00] =	vst v63  }
0x7d: {  	_ =	swait.ge @!p0 [sflag:s9], $0x4000  }
0x7e: {  	[sflag:s9] =	ssyncset.done @!p0 $0x0  }
0x7f: {  	[sflag:s9] =	ssyncadd.s32 @!p0 $0xFFFFC000;
	s9 =	sadd.s32 @!p0 $0x580, s10;
	s10 =	simm.s32 @!p0 $0x5C00  }
0x80: {  	[tilespmem:s10], [sflag:$0x2] =	stream.indirect.gather @!p0 [hbm4b:s1+s7], $0x80, s9, s7, $0xb8;
	[tilespmem:$0x15C00] =	vst v63  }
.Ltmp2:
0x81: {  	_ = 	snop;
	(pc) =	sbr.rel @p0 .LBB2_4-.Ltmp2, $4  }
0x82: {  	_ =	swait.ge [sflag:s20], $0x4000  }
0x83: {  	[sflag:s20] =	ssyncset.done $0x0  }
0x84: {  	[sflag:s20] =	ssyncadd.s32 $0xFFFFC000  }
0x85: {  	[hbm4b:s16+s4] =	stream.linear.scatter [tilespmem:s2], [sflag:$0xA], $0x4000, $0x38;
	[tilespmem:$0x15C00] =	vst v63  }
.Ltmp3:
0x86: {  	_ =	swait.ge [sflag:s0], $0x4000;
	(pc) =	sbr.rel .LBB2_2-.Ltmp3, $4  }
0x87: {  	s7 =	sadd.s32 $0x600, s11;
	s12 =	sadd.s32 $0xA00, s12;
	s13 =	sadd.s32 $0x50000, s13  }
0x88: {  	s14 =	sadd.s32 $0x50000, s14;
	s15 =	sadd.s32 $0x280000, s15;
	[sflag:s0] =	ssyncset.done $0x0  }
0x89: {  	s16 =	sadd.s32 $0x50000, s16;
	s17 =	sadd.s32 $0x50000, s17;
	[sflag:s0] =	ssyncadd.s32 $0xFFFFC000  }
0x8a: {  	[tilespmem:s26], [sflag:$0x3] =	stream.indirect.gather [hbm4b:s1+s22], $0x80, s7, s22, $0xb8;
	[tilespmem:$0x15C00] =	vst v63  }
.LBB2_5:
0x8b: {  	_ =	sfence.sel $0x180000  }
0x8c: {  	[bflag:$0x0] =	sbarrier.arrive $0xFFFF  }
0x8d: {  	_ =	strace $0x90000047  }
0x8e: {  	s0 =	stileid.u32;
	[bflag:$0x2] =	sbarrier.arrive $0xFFFF  }
0x8f: {  	p0 =	sne.s32 s0, $0x0;
	s0 =	rddreg [dreg:$0x3]  }
0x90: {  	s0 =	sadd.s32 @!p0 $0x100000, s0  }
0x91: {  	[sflag:s0] =	ssyncadd.tile.s32 @!p0 $0x1;
	_ =	shalt  }
.Lfunc_end2:
_tile_overlayer_lowered:
.L_overlay_start_2:
0x92: {  	(tag) =	ssettag $0x2  }
0x93: {  	s0 =	rddreg [dreg:$0x0];
	s2 =	stileid.u32  }
0x94: {  	s1 =	rddreg [dreg:$0x1];
	p0 =	sne.s32 s2, $0x0  }
0x95: {  	s3 =	rddreg [dreg:$0x2];
	[bflag:$0x3] =	sbarrier.arrive $0xFFFF;
	s2 =	simm.s32 @!p0 $0x1C0B  }
0x96: {  	[timem:s3], [sflag:s2] =	dma.local @!p0 [hbm:s0], s1  }
0x97: {  	s0 =	simm.s32 @!p0 $0xB  }
0x98: {  	_ =	swait.ge @!p0 [sflag:s0], s1  }
0x99: {  	s1 =	ssub.s32 @!p0 $0x0, s1;
	[sflag:s0] =	ssyncset.done @!p0 $0x0  }
0x9a: {  	[sflag:s0] =	ssyncadd.s32 @!p0 s1  }
0x9b: {  	[bflag:$0x3] =	sbarrier.arrive $0xFFFF  }
0x9c: {  	_ =	shalt  }

</sc_bundles>
